<compile_context>
chip_gen: v7x
topology: tpu7x:2x2x1
jax: 0.10.2.dev20260603
libtpu: 0.0.44.dev20260713+nightly
codegen_flags: <defaults>
</compile_context>

<pallas_src>
import functools
import math

import jax
import jax.numpy as jnp
from jax import lax
from jax.experimental import pallas as pl
from jax.experimental.pallas import tpu as pltpu
from jax.experimental.pallas import tpu_sc as plsc

D = 64
SCALE = math.sqrt(D)
B = 4096
S = 200
NC = 2
NS = 16
NW = NC * NS
C = 128
TP = C + 1
NBUF = 4
NCHUNK = S
NGROUP = NCHUNK // NBUF


def _build_sc_embed():
  mesh = plsc.VectorSubcoreMesh(core_axis_name="c", subcore_axis_name="s")

  @functools.partial(
      pl.kernel,
      mesh=mesh,
      out_type=jax.ShapeDtypeStruct((S, D // 8, B // C, 8, C), jnp.float32),
      compiler_params=pltpu.CompilerParams(use_tc_tiling_on_sc=False,
                                           needs_layout_passes=False),
      scratch_types=[
          pltpu.VMEM((S // 8, 8, C), jnp.int32),
          pltpu.VMEM((NBUF, C, D), jnp.float32),
          pltpu.VMEM((NBUF, D // 8, 8, TP), jnp.float32),
          pltpu.SemaphoreType.DMA,
          pltpu.SemaphoreType.DMA((NBUF,)),
          pltpu.SemaphoreType.DMA((NBUF,)),
      ],
  )
  def sc_embed(x4_hbm, tab_hbm, out_hbm, idx_v, g_v, t_v, sem_i, sem_g, sem_o):
    wid = lax.axis_index("s") * NC + lax.axis_index("c")
    iota = lax.iota(jnp.int32, 16)
    zero16 = jnp.zeros((16,), jnp.int32)
    fconst = [(iota >> 3) * (8 * TP) + (iota & 7) * TP + 2 * j * (8 * TP)
              for j in range(D // 16)]

    def gather_start(c, b):
      pltpu.make_async_copy(
          tab_hbm.at[idx_v.at[c // 8, c % 8]], g_v.at[b], sem_g.at[b]).start()

    def gather_wait(c, b):
      pltpu.make_async_copy(
          tab_hbm.at[idx_v.at[c // 8, c % 8]], g_v.at[b], sem_g.at[b]).wait()

    def out_start(c, b):
      pltpu.make_async_copy(
          t_v.at[b, :, :, pl.ds(0, C)], out_hbm.at[c, :, wid],
          sem_o.at[b]).start()

    def out_wait(b):
      pltpu.make_async_copy(
          t_v.at[b, :, :, pl.ds(0, C)], out_hbm.at[0, :, wid],
          sem_o.at[b]).wait()

    def scale_transpose(b):
      @functools.partial(plsc.parallel_loop, 0, C, unroll=4)
      def body(b0):
        b0s = jnp.full((16,), b0, jnp.int32)
        for j in range(D // 16):
          vals = g_v[b, b0, pl.ds(16 * j, 16)] * SCALE
          plsc.store_scatter(t_v.at[b], [zero16, zero16, fconst[j] + b0s], vals)

    pltpu.make_async_copy(x4_hbm.at[:, wid], idx_v, sem_i).start()
    pltpu.make_async_copy(x4_hbm.at[:, wid], idx_v, sem_i).wait()

    def remap(q, carry):
      s1 = q // 8
      s0 = q % 8
      for t in range(C // 16):
        sl = pl.ds(16 * t, 16)
        v = idx_v[s1, s0, sl]
        r = v & 511
        idx_v[s1, s0, sl] = (v - r) + ((r & 255) << 1) + (r >> 8)
      return carry
    lax.fori_loop(0, NCHUNK, remap, 0, unroll=2)

    gather_start(0, 0)

    def group(g, carry):
      for b in range(NBUF):
        c = g * NBUF + b
        b1 = (b + 1) % NBUF

        @pl.when(c < NCHUNK - 1)
        def _():
          gather_start(c + 1, b1)

        gather_wait(c, b)

        @pl.when(c >= NBUF)
        def _():
          out_wait(b)

        scale_transpose(b)
        out_start(c, b)
      return carry

    lax.fori_loop(0, NGROUP, group, 0)

    for b in range(NBUF):
      out_wait(b)

  return sc_embed


_sc_embed = _build_sc_embed()


CBLK = 256
IBLK = 16384
NBULK = 999424 // IBLK
TBLK = 1024


def _make_tc_body(iblk):
  def body(t_ref, o_ref):
    for m in range(iblk // (2 * CBLK)):
      a = t_ref[:, pl.ds(2 * CBLK * m, CBLK)]
      c = t_ref[:, pl.ds(2 * CBLK * m + CBLK, CBLK)]
      o_ref[pl.ds(CBLK * m, CBLK), :] = jnp.concatenate([a, c], axis=0).T
  return body


_tc_bulk = pl.pallas_call(
    _make_tc_body(IBLK),
    grid=(NBULK,),
    in_specs=[pl.BlockSpec((D, IBLK), lambda i: (0, i))],
    out_specs=pl.BlockSpec((IBLK // 2, 128), lambda i: (i, 0)),
    out_shape=jax.ShapeDtypeStruct((500224, 128), jnp.float32),
    compiler_params=pltpu.CompilerParams(vmem_limit_bytes=128 * 1024 * 1024),
)

_tc_tail = pl.pallas_call(
    lambda t_ref, dummy_ref, o_ref: _make_tc_body(TBLK)(t_ref, o_ref),
    grid=(1,),
    in_specs=[
        pl.BlockSpec((D, TBLK), lambda i: (0, 999424 // TBLK)),
        pl.BlockSpec((8, 128), lambda i: (0, 0)),
    ],
    out_specs=pl.BlockSpec((TBLK // 2, 128), lambda i: (999424 // TBLK, 0)),
    out_shape=jax.ShapeDtypeStruct((500224, 128), jnp.float32),
    input_output_aliases={1: 0},
)


def kernel(x, table):
  x4 = x.astype(jnp.int32).reshape(32, 128, 25, 8).transpose(2, 0, 3, 1)
  tt = table.T
  tab_lin = _tc_tail(tt, _tc_bulk(tt)).reshape(500224 * 2, D)
  w = _sc_embed(x4, tab_lin)
  return w.transpose(2, 4, 0, 1, 3).reshape(B, S, D)

# --- scband reference (transcript-rebuilt; emitter-appended) ---
"""Pipeline reference for scband-input-embedding-45088566673854 (READ-ONLY COPY).

The authoritative reference and input builder live on the scoring server;
editing this copy changes nothing except your own understanding.
"""

import math
import jax, jax.numpy as jnp
import numpy as np

VOCAB = 1000000
D_MODEL = 64

def setup_inputs(seed: int = 0) -> dict:
    key = jax.random.key(seed)
    k_idx, k_tab = jax.random.split(key)
    x = jax.random.randint(k_idx, (4096, 200), 0, VOCAB, dtype=jnp.int64 if jax.config.read('jax_enable_x64') else jnp.int32)
    table = jax.random.normal(k_tab, (VOCAB, D_MODEL), dtype=jnp.float32) * 0.02
    return {"x": x, "table": table}

def reference(x, table):
    # InputEmbedding.forward: embedding(x) * sqrt(d_model)
    emb = jnp.take(table, x, axis=0)
    return emb * math.sqrt(D_MODEL)

if __name__ == "__main__":
    import jax
    _d = setup_inputs()
    print(jax.jit(kernel)(*tuple(_d.values())))

</pallas_src>

<mosaic_0001>
#map = affine_map<(d0, d1) -> (0, 0, 0, 0)>
#map1 = affine_map<(d0, d1) -> (0, 0)>
#map2 = affine_map<(d0, d1) -> (0, 0, 0, 0, 0)>
module attributes {stable_mosaic.version = 14 : i64} {
  func.func @sc_embed(%arg0: i32, %arg1: i32, %arg2: memref<25x32x8x128xi32, #tpu.memory_space<hbm>>, %arg3: memref<1000448x64xf32, #tpu.memory_space<hbm>>, %arg4: memref<200x8x32x8x128xf32, #tpu.memory_space<hbm>>, %arg5: memref<25x8x128xi32, #tpu.memory_space<vmem>>, %arg6: memref<4x128x64xf32, #tpu.memory_space<vmem>>, %arg7: memref<4x8x8x129xf32, #tpu.memory_space<vmem>>, %arg8: memref<!tpu.dma_semaphore, #tpu.memory_space<semaphore_mem>>, %arg9: memref<4x!tpu.dma_semaphore, #tpu.memory_space<semaphore_mem>>, %arg10: memref<4x!tpu.dma_semaphore, #tpu.memory_space<semaphore_mem>>) attributes {dimension_semantics = [#tpu.dimension_semantics<core_parallel>, #tpu.dimension_semantics<subcore_parallel>], iteration_bounds = array<i64: 2, 16>, scalar_prefetch = 0 : i64, scratch_operands = 6 : i64, tpu.core_type = #tpu.core_type<sc_vector_subcore>, window_params = [{transform_indices = #map}, {transform_indices = #map1}, {transform_indices = #map2}]} {
    %mul3A = arith.constant 2 : i32
    %mul3A_0 = arith.muli %arg1, %mul3A : i32
    %add3A = arith.addi %mul3A_0, %arg0 : i32
    %iota3A = tpu.iota {dimensions = array<i32: 0>} : vector<16xi32>
    %broadcast_in_dim3A = arith.constant 0 : i32
    %broadcast_in_dim3A_1 = vector.broadcast %broadcast_in_dim3A : i32 to vector<16xi32>
    %shift_right_arithmetic3A = arith.constant 3 : i32
    %shift_right_arithmetic3A_2 = vector.broadcast %shift_right_arithmetic3A : i32 to vector<16xi32>
    %shift_right_arithmetic3A_3 = arith.shrsi %iota3A, %shift_right_arithmetic3A_2 : vector<16xi32>
    %mul3A_4 = arith.constant 1032 : i32
    %mul3A_5 = vector.broadcast %mul3A_4 : i32 to vector<16xi32>
    %mul3A_6 = arith.muli %shift_right_arithmetic3A_3, %mul3A_5 : vector<16xi32>
    %and3A = arith.constant 7 : i32
    %and3A_7 = vector.broadcast %and3A : i32 to vector<16xi32>
    %and3A_8 = arith.andi %iota3A, %and3A_7 : vector<16xi32>
    %mul3A_9 = arith.constant 129 : i32
    %mul3A_10 = vector.broadcast %mul3A_9 : i32 to vector<16xi32>
    %mul3A_11 = arith.muli %and3A_8, %mul3A_10 : vector<16xi32>
    %add3A_12 = arith.addi %mul3A_6, %mul3A_11 : vector<16xi32>
    %add3A_13 = arith.constant 0 : i32
    %add3A_14 = vector.broadcast %add3A_13 : i32 to vector<16xi32>
    %add3A_15 = arith.addi %add3A_12, %add3A_14 : vector<16xi32>
    %shift_right_arithmetic3A_16 = arith.constant 3 : i32
    %shift_right_arithmetic3A_17 = vector.broadcast %shift_right_arithmetic3A_16 : i32 to vector<16xi32>
    %shift_right_arithmetic3A_18 = arith.shrsi %iota3A, %shift_right_arithmetic3A_17 : vector<16xi32>
    %mul3A_19 = arith.constant 1032 : i32
    %mul3A_20 = vector.broadcast %mul3A_19 : i32 to vector<16xi32>
    %mul3A_21 = arith.muli %shift_right_arithmetic3A_18, %mul3A_20 : vector<16xi32>
    %and3A_22 = arith.constant 7 : i32
    %and3A_23 = vector.broadcast %and3A_22 : i32 to vector<16xi32>
    %and3A_24 = arith.andi %iota3A, %and3A_23 : vector<16xi32>
    %mul3A_25 = arith.constant 129 : i32
    %mul3A_26 = vector.broadcast %mul3A_25 : i32 to vector<16xi32>
    %mul3A_27 = arith.muli %and3A_24, %mul3A_26 : vector<16xi32>
    %add3A_28 = arith.addi %mul3A_21, %mul3A_27 : vector<16xi32>
    %add3A_29 = arith.constant 2064 : i32
    %add3A_30 = vector.broadcast %add3A_29 : i32 to vector<16xi32>
    %add3A_31 = arith.addi %add3A_28, %add3A_30 : vector<16xi32>
    %shift_right_arithmetic3A_32 = arith.constant 3 : i32
    %shift_right_arithmetic3A_33 = vector.broadcast %shift_right_arithmetic3A_32 : i32 to vector<16xi32>
    %shift_right_arithmetic3A_34 = arith.shrsi %iota3A, %shift_right_arithmetic3A_33 : vector<16xi32>
    %mul3A_35 = arith.constant 1032 : i32
    %mul3A_36 = vector.broadcast %mul3A_35 : i32 to vector<16xi32>
    %mul3A_37 = arith.muli %shift_right_arithmetic3A_34, %mul3A_36 : vector<16xi32>
    %and3A_38 = arith.constant 7 : i32
    %and3A_39 = vector.broadcast %and3A_38 : i32 to vector<16xi32>
    %and3A_40 = arith.andi %iota3A, %and3A_39 : vector<16xi32>
    %mul3A_41 = arith.constant 129 : i32
    %mul3A_42 = vector.broadcast %mul3A_41 : i32 to vector<16xi32>
    %mul3A_43 = arith.muli %and3A_40, %mul3A_42 : vector<16xi32>
    %add3A_44 = arith.addi %mul3A_37, %mul3A_43 : vector<16xi32>
    %add3A_45 = arith.constant 4128 : i32
    %add3A_46 = vector.broadcast %add3A_45 : i32 to vector<16xi32>
    %add3A_47 = arith.addi %add3A_44, %add3A_46 : vector<16xi32>
    %shift_right_arithmetic3A_48 = arith.constant 3 : i32
    %shift_right_arithmetic3A_49 = vector.broadcast %shift_right_arithmetic3A_48 : i32 to vector<16xi32>
    %shift_right_arithmetic3A_50 = arith.shrsi %iota3A, %shift_right_arithmetic3A_49 : vector<16xi32>
    %mul3A_51 = arith.constant 1032 : i32
    %mul3A_52 = vector.broadcast %mul3A_51 : i32 to vector<16xi32>
    %mul3A_53 = arith.muli %shift_right_arithmetic3A_50, %mul3A_52 : vector<16xi32>
    %and3A_54 = arith.constant 7 : i32
    %and3A_55 = vector.broadcast %and3A_54 : i32 to vector<16xi32>
    %and3A_56 = arith.andi %iota3A, %and3A_55 : vector<16xi32>
    %mul3A_57 = arith.constant 129 : i32
    %mul3A_58 = vector.broadcast %mul3A_57 : i32 to vector<16xi32>
    %mul3A_59 = arith.muli %and3A_56, %mul3A_58 : vector<16xi32>
    %add3A_60 = arith.addi %mul3A_53, %mul3A_59 : vector<16xi32>
    %add3A_61 = arith.constant 6192 : i32
    %add3A_62 = vector.broadcast %add3A_61 : i32 to vector<16xi32>
    %add3A_63 = arith.addi %add3A_60, %add3A_62 : vector<16xi32>
    %dma_start3A = arith.constant 0 : i32
    %dma_start3A_64 = arith.constant 0 : i32
    %dma_start3A_65 = arith.constant 0 : i32
    %dma_start3A_66 = tpu.memref_slice %arg2[%dma_start3A, %add3A, %dma_start3A_64, %dma_start3A_65] : memref<25x32x8x128xi32, #tpu.memory_space<hbm>> -> memref<25x1x8x128xi32, #tpu.memory_space<hbm>>
    %dma_start3A_67 = tpu.memref_squeeze %dma_start3A_66 : memref<25x1x8x128xi32, #tpu.memory_space<hbm>> -> memref<25x8x128xi32, #tpu.memory_space<hbm>>
    %dma_start3A_68 = arith.constant 0 : i32
    %dma_start3A_69 = arith.constant 0 : i32
    %dma_start3A_70 = arith.constant 0 : i32
    %dma_start3A_71 = tpu.memref_slice %arg2[%dma_start3A_68, %add3A, %dma_start3A_69, %dma_start3A_70] : memref<25x32x8x128xi32, #tpu.memory_space<hbm>> -> memref<25x1x8x128xi32, #tpu.memory_space<hbm>>
    %dma_start3A_72 = tpu.memref_squeeze %dma_start3A_71 : memref<25x1x8x128xi32, #tpu.memory_space<hbm>> -> memref<25x8x128xi32, #tpu.memory_space<hbm>>
    tpu.enqueue_dma source(%dma_start3A_72 : memref<25x8x128xi32, #tpu.memory_space<hbm>>) target(%arg5 : memref<25x8x128xi32, #tpu.memory_space<vmem>>) target_semaphore(%arg8 : memref<!tpu.dma_semaphore, #tpu.memory_space<semaphore_mem>>)
    %dma_wait3A = arith.constant 0 : i32
    %dma_wait3A_73 = arith.constant 0 : i32
    %dma_wait3A_74 = arith.constant 0 : i32
    %dma_wait3A_75 = tpu.memref_slice %arg2[%dma_wait3A, %add3A, %dma_wait3A_73, %dma_wait3A_74] : memref<25x32x8x128xi32, #tpu.memory_space<hbm>> -> memref<25x1x8x128xi32, #tpu.memory_space<hbm>>
    %dma_wait3A_76 = tpu.memref_squeeze %dma_wait3A_75 : memref<25x1x8x128xi32, #tpu.memory_space<hbm>> -> memref<25x8x128xi32, #tpu.memory_space<hbm>>
    %dma_wait3A_77 = arith.constant 0 : i32
    %dma_wait3A_78 = arith.constant 0 : i32
    %dma_wait3A_79 = arith.constant 0 : i32
    %dma_wait3A_80 = tpu.memref_slice %arg2[%dma_wait3A_77, %add3A, %dma_wait3A_78, %dma_wait3A_79] : memref<25x32x8x128xi32, #tpu.memory_space<hbm>> -> memref<25x1x8x128xi32, #tpu.memory_space<hbm>>
    %dma_wait3A_81 = tpu.memref_squeeze %dma_wait3A_80 : memref<25x1x8x128xi32, #tpu.memory_space<hbm>> -> memref<25x8x128xi32, #tpu.memory_space<hbm>>
    tpu.wait_dma2 semaphore(%arg8 : memref<!tpu.dma_semaphore, #tpu.memory_space<semaphore_mem>>) src(%dma_wait3A_81 : memref<25x8x128xi32, #tpu.memory_space<hbm>>) dst(%arg5 : memref<25x8x128xi32, #tpu.memory_space<vmem>>)
    %scan3A = arith.constant 0 : i32
    %scan3A_82 = arith.constant 0 : i32
    %scan3A_83 = arith.constant 200 : i32
    %scan3A_84 = arith.addi %scan3A_82, %scan3A_83 : i32
    %scan3A_85 = arith.constant 2 : i32
    scf.for %scan3A_209 = %scan3A_82 to %scan3A_84 step %scan3A_85  : i32 {
      %jit3A = arith.constant 8 : i32
      %div3A = arith.divsi %scan3A_209, %jit3A : i32
      %sign3A = arith.constant 0 : i32
      %sign3A_210 = arith.cmpi sgt, %scan3A_209, %sign3A : i32
      %sign3A_211 = arith.extui %sign3A_210 : i1 to i32
      %sign3A_212 = arith.constant 0 : i32
      %sign3A_213 = arith.cmpi slt, %scan3A_209, %sign3A_212 : i32
      %sign3A_214 = arith.extui %sign3A_213 : i1 to i32
      %sign3A_215 = arith.subi %sign3A_211, %sign3A_214 : i32
      %sign3A_216 = arith.constant 0 : i32
      %sign3A_217 = arith.cmpi sgt, %jit3A, %sign3A_216 : i32
      %sign3A_218 = arith.extui %sign3A_217 : i1 to i32
      %sign3A_219 = arith.constant 0 : i32
      %sign3A_220 = arith.cmpi slt, %jit3A, %sign3A_219 : i32
      %sign3A_221 = arith.extui %sign3A_220 : i1 to i32
      %sign3A_222 = arith.subi %sign3A_218, %sign3A_221 : i32
      %ne3A = arith.cmpi ne, %sign3A_215, %sign3A_222 : i32
      %rem3A = arith.remsi %scan3A_209, %jit3A : i32
      %ne3A_223 = arith.constant 0 : i32
      %ne3A_224 = arith.cmpi ne, %rem3A, %ne3A_223 : i32
      %and3A_225 = arith.andi %ne3A, %ne3A_224 : i1
      %sub3A = arith.constant 1 : i32
      %sub3A_226 = arith.subi %div3A, %sub3A : i32
      %select_n3A = arith.select %and3A_225, %sub3A_226, %div3A : i32
      %jit3A_227 = arith.constant 8 : i32
      %eq3A = arith.constant 0 : i32
      %eq3A_228 = arith.cmpi eq, %jit3A_227, %eq3A : i32
      %jit3A_229 = arith.constant 1 : i32
      %select_n3A_230 = arith.select %eq3A_228, %jit3A_229, %jit3A_227 : i32
      %rem3A_231 = arith.remsi %scan3A_209, %select_n3A_230 : i32
      %ne3A_232 = arith.constant 0 : i32
      %ne3A_233 = arith.cmpi ne, %rem3A_231, %ne3A_232 : i32
      %lt3A = arith.constant 0 : i32
      %lt3A_234 = arith.cmpi slt, %rem3A_231, %lt3A : i32
      %lt3A_235 = arith.constant 0 : i32
      %lt3A_236 = arith.cmpi slt, %select_n3A_230, %lt3A_235 : i32
      %ne3A_237 = arith.xori %lt3A_234, %lt3A_236 : i1
      %and3A_238 = arith.andi %ne3A_237, %ne3A_233 : i1
      %add3A_239 = arith.addi %rem3A_231, %select_n3A_230 : i32
      %select_n3A_240 = arith.select %and3A_238, %add3A_239, %rem3A_231 : i32
      %get3A = arith.index_cast %select_n3A : i32 to index
      %get3A_241 = arith.index_cast %select_n3A_240 : i32 to index
      %get3A_242 = arith.constant 0 : index
      %get3A_243 = tpu.vector_load %arg5[%get3A, %get3A_241, %get3A_242] {strides = array<i32>} : memref<25x8x128xi32, #tpu.memory_space<vmem>>, vector<16xi32>,
      %and3A_244 = arith.constant 511 : i32
      %and3A_245 = vector.broadcast %and3A_244 : i32 to vector<16xi32>
      %and3A_246 = arith.andi %get3A_243, %and3A_245 : vector<16xi32>
      %sub3A_247 = arith.subi %get3A_243, %and3A_246 : vector<16xi32>
      %and3A_248 = arith.constant 255 : i32
      %and3A_249 = vector.broadcast %and3A_248 : i32 to vector<16xi32>
      %and3A_250 = arith.andi %and3A_246, %and3A_249 : vector<16xi32>
      %shift_left3A = arith.constant 1 : i32
      %shift_left3A_251 = vector.broadcast %shift_left3A : i32 to vector<16xi32>
      %shift_left3A_252 = arith.shli %and3A_250, %shift_left3A_251 : vector<16xi32>
      %add3A_253 = arith.addi %sub3A_247, %shift_left3A_252 : vector<16xi32>
      %shift_right_arithmetic3A_254 = arith.constant 8 : i32
      %shift_right_arithmetic3A_255 = vector.broadcast %shift_right_arithmetic3A_254 : i32 to vector<16xi32>
      %shift_right_arithmetic3A_256 = arith.shrsi %and3A_246, %shift_right_arithmetic3A_255 : vector<16xi32>
      %add3A_257 = arith.addi %add3A_253, %shift_right_arithmetic3A_256 : vector<16xi32>
      %swap3A = arith.index_cast %select_n3A : i32 to index
      %swap3A_258 = arith.index_cast %select_n3A_240 : i32 to index
      %swap3A_259 = arith.constant 0 : index
      %swap3A_260 = tpu.vector_load %arg5[%swap3A, %swap3A_258, %swap3A_259] {strides = array<i32>} : memref<25x8x128xi32, #tpu.memory_space<vmem>>, vector<16xi32>,
      tpu.vector_store %arg5[%swap3A, %swap3A_258, %swap3A_259], %add3A_257 {strides = array<i32>} : memref<25x8x128xi32, #tpu.memory_space<vmem>>, vector<16xi32>,
      %get3A_261 = arith.index_cast %select_n3A : i32 to index
      %get3A_262 = arith.index_cast %select_n3A_240 : i32 to index
      %get3A_263 = arith.constant 16 : index
      %get3A_264 = tpu.vector_load %arg5[%get3A_261, %get3A_262, %get3A_263] {strides = array<i32>} : memref<25x8x128xi32, #tpu.memory_space<vmem>>, vector<16xi32>,
      %and3A_265 = arith.constant 511 : i32
      %and3A_266 = vector.broadcast %and3A_265 : i32 to vector<16xi32>
      %and3A_267 = arith.andi %get3A_264, %and3A_266 : vector<16xi32>
      %sub3A_268 = arith.subi %get3A_264, %and3A_267 : vector<16xi32>
      %and3A_269 = arith.constant 255 : i32
      %and3A_270 = vector.broadcast %and3A_269 : i32 to vector<16xi32>
      %and3A_271 = arith.andi %and3A_267, %and3A_270 : vector<16xi32>
      %shift_left3A_272 = arith.constant 1 : i32
      %shift_left3A_273 = vector.broadcast %shift_left3A_272 : i32 to vector<16xi32>
      %shift_left3A_274 = arith.shli %and3A_271, %shift_left3A_273 : vector<16xi32>
      %add3A_275 = arith.addi %sub3A_268, %shift_left3A_274 : vector<16xi32>
      %shift_right_arithmetic3A_276 = arith.constant 8 : i32
      %shift_right_arithmetic3A_277 = vector.broadcast %shift_right_arithmetic3A_276 : i32 to vector<16xi32>
      %shift_right_arithmetic3A_278 = arith.shrsi %and3A_267, %shift_right_arithmetic3A_277 : vector<16xi32>
      %add3A_279 = arith.addi %add3A_275, %shift_right_arithmetic3A_278 : vector<16xi32>
      %swap3A_280 = arith.index_cast %select_n3A : i32 to index
      %swap3A_281 = arith.index_cast %select_n3A_240 : i32 to index
      %swap3A_282 = arith.constant 16 : index
      %swap3A_283 = tpu.vector_load %arg5[%swap3A_280, %swap3A_281, %swap3A_282] {strides = array<i32>} : memref<25x8x128xi32, #tpu.memory_space<vmem>>, vector<16xi32>,
      tpu.vector_store %arg5[%swap3A_280, %swap3A_281, %swap3A_282], %add3A_279 {strides = array<i32>} : memref<25x8x128xi32, #tpu.memory_space<vmem>>, vector<16xi32>,
      %get3A_284 = arith.index_cast %select_n3A : i32 to index
      %get3A_285 = arith.index_cast %select_n3A_240 : i32 to index
      %get3A_286 = arith.constant 32 : index
      %get3A_287 = tpu.vector_load %arg5[%get3A_284, %get3A_285, %get3A_286] {strides = array<i32>} : memref<25x8x128xi32, #tpu.memory_space<vmem>>, vector<16xi32>,
      %and3A_288 = arith.constant 511 : i32
      %and3A_289 = vector.broadcast %and3A_288 : i32 to vector<16xi32>
      %and3A_290 = arith.andi %get3A_287, %and3A_289 : vector<16xi32>
      %sub3A_291 = arith.subi %get3A_287, %and3A_290 : vector<16xi32>
      %and3A_292 = arith.constant 255 : i32
      %and3A_293 = vector.broadcast %and3A_292 : i32 to vector<16xi32>
      %and3A_294 = arith.andi %and3A_290, %and3A_293 : vector<16xi32>
      %shift_left3A_295 = arith.constant 1 : i32
      %shift_left3A_296 = vector.broadcast %shift_left3A_295 : i32 to vector<16xi32>
      %shift_left3A_297 = arith.shli %and3A_294, %shift_left3A_296 : vector<16xi32>
      %add3A_298 = arith.addi %sub3A_291, %shift_left3A_297 : vector<16xi32>
      %shift_right_arithmetic3A_299 = arith.constant 8 : i32
      %shift_right_arithmetic3A_300 = vector.broadcast %shift_right_arithmetic3A_299 : i32 to vector<16xi32>
      %shift_right_arithmetic3A_301 = arith.shrsi %and3A_290, %shift_right_arithmetic3A_300 : vector<16xi32>
      %add3A_302 = arith.addi %add3A_298, %shift_right_arithmetic3A_301 : vector<16xi32>
      %swap3A_303 = arith.index_cast %select_n3A : i32 to index
      %swap3A_304 = arith.index_cast %select_n3A_240 : i32 to index
      %swap3A_305 = arith.constant 32 : index
      %swap3A_306 = tpu.vector_load %arg5[%swap3A_303, %swap3A_304, %swap3A_305] {strides = array<i32>} : memref<25x8x128xi32, #tpu.memory_space<vmem>>, vector<16xi32>,
      tpu.vector_store %arg5[%swap3A_303, %swap3A_304, %swap3A_305], %add3A_302 {strides = array<i32>} : memref<25x8x128xi32, #tpu.memory_space<vmem>>, vector<16xi32>,
      %get3A_307 = arith.index_cast %select_n3A : i32 to index
      %get3A_308 = arith.index_cast %select_n3A_240 : i32 to index
      %get3A_309 = arith.constant 48 : index
      %get3A_310 = tpu.vector_load %arg5[%get3A_307, %get3A_308, %get3A_309] {strides = array<i32>} : memref<25x8x128xi32, #tpu.memory_space<vmem>>, vector<16xi32>,
      %and3A_311 = arith.constant 511 : i32
      %and3A_312 = vector.broadcast %and3A_311 : i32 to vector<16xi32>
      %and3A_313 = arith.andi %get3A_310, %and3A_312 : vector<16xi32>
      %sub3A_314 = arith.subi %get3A_310, %and3A_313 : vector<16xi32>
      %and3A_315 = arith.constant 255 : i32
      %and3A_316 = vector.broadcast %and3A_315 : i32 to vector<16xi32>
      %and3A_317 = arith.andi %and3A_313, %and3A_316 : vector<16xi32>
      %shift_left3A_318 = arith.constant 1 : i32
      %shift_left3A_319 = vector.broadcast %shift_left3A_318 : i32 to vector<16xi32>
      %shift_left3A_320 = arith.shli %and3A_317, %shift_left3A_319 : vector<16xi32>
      %add3A_321 = arith.addi %sub3A_314, %shift_left3A_320 : vector<16xi32>
      %shift_right_arithmetic3A_322 = arith.constant 8 : i32
      %shift_right_arithmetic3A_323 = vector.broadcast %shift_right_arithmetic3A_322 : i32 to vector<16xi32>
      %shift_right_arithmetic3A_324 = arith.shrsi %and3A_313, %shift_right_arithmetic3A_323 : vector<16xi32>
      %add3A_325 = arith.addi %add3A_321, %shift_right_arithmetic3A_324 : vector<16xi32>
      %swap3A_326 = arith.index_cast %select_n3A : i32 to index
      %swap3A_327 = arith.index_cast %select_n3A_240 : i32 to index
      %swap3A_328 = arith.constant 48 : index
      %swap3A_329 = tpu.vector_load %arg5[%swap3A_326, %swap3A_327, %swap3A_328] {strides = array<i32>} : memref<25x8x128xi32, #tpu.memory_space<vmem>>, vector<16xi32>,
      tpu.vector_store %arg5[%swap3A_326, %swap3A_327, %swap3A_328], %add3A_325 {strides = array<i32>} : memref<25x8x128xi32, #tpu.memory_space<vmem>>, vector<16xi32>,
      %get3A_330 = arith.index_cast %select_n3A : i32 to index
      %get3A_331 = arith.index_cast %select_n3A_240 : i32 to index
      %get3A_332 = arith.constant 64 : index
      %get3A_333 = tpu.vector_load %arg5[%get3A_330, %get3A_331, %get3A_332] {strides = array<i32>} : memref<25x8x128xi32, #tpu.memory_space<vmem>>, vector<16xi32>,
      %and3A_334 = arith.constant 511 : i32
      %and3A_335 = vector.broadcast %and3A_334 : i32 to vector<16xi32>
      %and3A_336 = arith.andi %get3A_333, %and3A_335 : vector<16xi32>
      %sub3A_337 = arith.subi %get3A_333, %and3A_336 : vector<16xi32>
      %and3A_338 = arith.constant 255 : i32
      %and3A_339 = vector.broadcast %and3A_338 : i32 to vector<16xi32>
      %and3A_340 = arith.andi %and3A_336, %and3A_339 : vector<16xi32>
      %shift_left3A_341 = arith.constant 1 : i32
      %shift_left3A_342 = vector.broadcast %shift_left3A_341 : i32 to vector<16xi32>
      %shift_left3A_343 = arith.shli %and3A_340, %shift_left3A_342 : vector<16xi32>
      %add3A_344 = arith.addi %sub3A_337, %shift_left3A_343 : vector<16xi32>
      %shift_right_arithmetic3A_345 = arith.constant 8 : i32
      %shift_right_arithmetic3A_346 = vector.broadcast %shift_right_arithmetic3A_345 : i32 to vector<16xi32>
      %shift_right_arithmetic3A_347 = arith.shrsi %and3A_336, %shift_right_arithmetic3A_346 : vector<16xi32>
      %add3A_348 = arith.addi %add3A_344, %shift_right_arithmetic3A_347 : vector<16xi32>
      %swap3A_349 = arith.index_cast %select_n3A : i32 to index
      %swap3A_350 = arith.index_cast %select_n3A_240 : i32 to index
      %swap3A_351 = arith.constant 64 : index
      %swap3A_352 = tpu.vector_load %arg5[%swap3A_349, %swap3A_350, %swap3A_351] {strides = array<i32>} : memref<25x8x128xi32, #tpu.memory_space<vmem>>, vector<16xi32>,
      tpu.vector_store %arg5[%swap3A_349, %swap3A_350, %swap3A_351], %add3A_348 {strides = array<i32>} : memref<25x8x128xi32, #tpu.memory_space<vmem>>, vector<16xi32>,
      %get3A_353 = arith.index_cast %select_n3A : i32 to index
      %get3A_354 = arith.index_cast %select_n3A_240 : i32 to index
      %get3A_355 = arith.constant 80 : index
      %get3A_356 = tpu.vector_load %arg5[%get3A_353, %get3A_354, %get3A_355] {strides = array<i32>} : memref<25x8x128xi32, #tpu.memory_space<vmem>>, vector<16xi32>,
      %and3A_357 = arith.constant 511 : i32
      %and3A_358 = vector.broadcast %and3A_357 : i32 to vector<16xi32>
      %and3A_359 = arith.andi %get3A_356, %and3A_358 : vector<16xi32>
      %sub3A_360 = arith.subi %get3A_356, %and3A_359 : vector<16xi32>
      %and3A_361 = arith.constant 255 : i32
      %and3A_362 = vector.broadcast %and3A_361 : i32 to vector<16xi32>
      %and3A_363 = arith.andi %and3A_359, %and3A_362 : vector<16xi32>
      %shift_left3A_364 = arith.constant 1 : i32
      %shift_left3A_365 = vector.broadcast %shift_left3A_364 : i32 to vector<16xi32>
      %shift_left3A_366 = arith.shli %and3A_363, %shift_left3A_365 : vector<16xi32>
      %add3A_367 = arith.addi %sub3A_360, %shift_left3A_366 : vector<16xi32>
      %shift_right_arithmetic3A_368 = arith.constant 8 : i32
      %shift_right_arithmetic3A_369 = vector.broadcast %shift_right_arithmetic3A_368 : i32 to vector<16xi32>
      %shift_right_arithmetic3A_370 = arith.shrsi %and3A_359, %shift_right_arithmetic3A_369 : vector<16xi32>
      %add3A_371 = arith.addi %add3A_367, %shift_right_arithmetic3A_370 : vector<16xi32>
      %swap3A_372 = arith.index_cast %select_n3A : i32 to index
      %swap3A_373 = arith.index_cast %select_n3A_240 : i32 to index
      %swap3A_374 = arith.constant 80 : index
      %swap3A_375 = tpu.vector_load %arg5[%swap3A_372, %swap3A_373, %swap3A_374] {strides = array<i32>} : memref<25x8x128xi32, #tpu.memory_space<vmem>>, vector<16xi32>,
      tpu.vector_store %arg5[%swap3A_372, %swap3A_373, %swap3A_374], %add3A_371 {strides = array<i32>} : memref<25x8x128xi32, #tpu.memory_space<vmem>>, vector<16xi32>,
      %get3A_376 = arith.index_cast %select_n3A : i32 to index
      %get3A_377 = arith.index_cast %select_n3A_240 : i32 to index
      %get3A_378 = arith.constant 96 : index
      %get3A_379 = tpu.vector_load %arg5[%get3A_376, %get3A_377, %get3A_378] {strides = array<i32>} : memref<25x8x128xi32, #tpu.memory_space<vmem>>, vector<16xi32>,
      %and3A_380 = arith.constant 511 : i32
      %and3A_381 = vector.broadcast %and3A_380 : i32 to vector<16xi32>
      %and3A_382 = arith.andi %get3A_379, %and3A_381 : vector<16xi32>
      %sub3A_383 = arith.subi %get3A_379, %and3A_382 : vector<16xi32>
      %and3A_384 = arith.constant 255 : i32
      %and3A_385 = vector.broadcast %and3A_384 : i32 to vector<16xi32>
      %and3A_386 = arith.andi %and3A_382, %and3A_385 : vector<16xi32>
      %shift_left3A_387 = arith.constant 1 : i32
      %shift_left3A_388 = vector.broadcast %shift_left3A_387 : i32 to vector<16xi32>
      %shift_left3A_389 = arith.shli %and3A_386, %shift_left3A_388 : vector<16xi32>
      %add3A_390 = arith.addi %sub3A_383, %shift_left3A_389 : vector<16xi32>
      %shift_right_arithmetic3A_391 = arith.constant 8 : i32
      %shift_right_arithmetic3A_392 = vector.broadcast %shift_right_arithmetic3A_391 : i32 to vector<16xi32>
      %shift_right_arithmetic3A_393 = arith.shrsi %and3A_382, %shift_right_arithmetic3A_392 : vector<16xi32>
      %add3A_394 = arith.addi %add3A_390, %shift_right_arithmetic3A_393 : vector<16xi32>
      %swap3A_395 = arith.index_cast %select_n3A : i32 to index
      %swap3A_396 = arith.index_cast %select_n3A_240 : i32 to index
      %swap3A_397 = arith.constant 96 : index
      %swap3A_398 = tpu.vector_load %arg5[%swap3A_395, %swap3A_396, %swap3A_397] {strides = array<i32>} : memref<25x8x128xi32, #tpu.memory_space<vmem>>, vector<16xi32>,
      tpu.vector_store %arg5[%swap3A_395, %swap3A_396, %swap3A_397], %add3A_394 {strides = array<i32>} : memref<25x8x128xi32, #tpu.memory_space<vmem>>, vector<16xi32>,
      %get3A_399 = arith.index_cast %select_n3A : i32 to index
      %get3A_400 = arith.index_cast %select_n3A_240 : i32 to index
      %get3A_401 = arith.constant 112 : index
      %get3A_402 = tpu.vector_load %arg5[%get3A_399, %get3A_400, %get3A_401] {strides = array<i32>} : memref<25x8x128xi32, #tpu.memory_space<vmem>>, vector<16xi32>,
      %and3A_403 = arith.constant 511 : i32
      %and3A_404 = vector.broadcast %and3A_403 : i32 to vector<16xi32>
      %and3A_405 = arith.andi %get3A_402, %and3A_404 : vector<16xi32>
      %sub3A_406 = arith.subi %get3A_402, %and3A_405 : vector<16xi32>
      %and3A_407 = arith.constant 255 : i32
      %and3A_408 = vector.broadcast %and3A_407 : i32 to vector<16xi32>
      %and3A_409 = arith.andi %and3A_405, %and3A_408 : vector<16xi32>
      %shift_left3A_410 = arith.constant 1 : i32
      %shift_left3A_411 = vector.broadcast %shift_left3A_410 : i32 to vector<16xi32>
      %shift_left3A_412 = arith.shli %and3A_409, %shift_left3A_411 : vector<16xi32>
      %add3A_413 = arith.addi %sub3A_406, %shift_left3A_412 : vector<16xi32>
      %shift_right_arithmetic3A_414 = arith.constant 8 : i32
      %shift_right_arithmetic3A_415 = vector.broadcast %shift_right_arithmetic3A_414 : i32 to vector<16xi32>
      %shift_right_arithmetic3A_416 = arith.shrsi %and3A_405, %shift_right_arithmetic3A_415 : vector<16xi32>
      %add3A_417 = arith.addi %add3A_413, %shift_right_arithmetic3A_416 : vector<16xi32>
      %swap3A_418 = arith.index_cast %select_n3A : i32 to index
      %swap3A_419 = arith.index_cast %select_n3A_240 : i32 to index
      %swap3A_420 = arith.constant 112 : index
      %swap3A_421 = tpu.vector_load %arg5[%swap3A_418, %swap3A_419, %swap3A_420] {strides = array<i32>} : memref<25x8x128xi32, #tpu.memory_space<vmem>>, vector<16xi32>,
      tpu.vector_store %arg5[%swap3A_418, %swap3A_419, %swap3A_420], %add3A_417 {strides = array<i32>} : memref<25x8x128xi32, #tpu.memory_space<vmem>>, vector<16xi32>,
      %scan3A_422 = arith.constant 1 : i32
      %scan3A_423 = arith.addi %scan3A_209, %scan3A_422 : i32
      %jit3A_424 = arith.constant 8 : i32
      %div3A_425 = arith.divsi %scan3A_423, %jit3A_424 : i32
      %sign3A_426 = arith.constant 0 : i32
      %sign3A_427 = arith.cmpi sgt, %scan3A_423, %sign3A_426 : i32
      %sign3A_428 = arith.extui %sign3A_427 : i1 to i32
      %sign3A_429 = arith.constant 0 : i32
      %sign3A_430 = arith.cmpi slt, %scan3A_423, %sign3A_429 : i32
      %sign3A_431 = arith.extui %sign3A_430 : i1 to i32
      %sign3A_432 = arith.subi %sign3A_428, %sign3A_431 : i32
      %sign3A_433 = arith.constant 0 : i32
      %sign3A_434 = arith.cmpi sgt, %jit3A_424, %sign3A_433 : i32
      %sign3A_435 = arith.extui %sign3A_434 : i1 to i32
      %sign3A_436 = arith.constant 0 : i32
      %sign3A_437 = arith.cmpi slt, %jit3A_424, %sign3A_436 : i32
      %sign3A_438 = arith.extui %sign3A_437 : i1 to i32
      %sign3A_439 = arith.subi %sign3A_435, %sign3A_438 : i32
      %ne3A_440 = arith.cmpi ne, %sign3A_432, %sign3A_439 : i32
      %rem3A_441 = arith.remsi %scan3A_423, %jit3A_424 : i32
      %ne3A_442 = arith.constant 0 : i32
      %ne3A_443 = arith.cmpi ne, %rem3A_441, %ne3A_442 : i32
      %and3A_444 = arith.andi %ne3A_440, %ne3A_443 : i1
      %sub3A_445 = arith.constant 1 : i32
      %sub3A_446 = arith.subi %div3A_425, %sub3A_445 : i32
      %select_n3A_447 = arith.select %and3A_444, %sub3A_446, %div3A_425 : i32
      %jit3A_448 = arith.constant 8 : i32
      %eq3A_449 = arith.constant 0 : i32
      %eq3A_450 = arith.cmpi eq, %jit3A_448, %eq3A_449 : i32
      %jit3A_451 = arith.constant 1 : i32
      %select_n3A_452 = arith.select %eq3A_450, %jit3A_451, %jit3A_448 : i32
      %rem3A_453 = arith.remsi %scan3A_423, %select_n3A_452 : i32
      %ne3A_454 = arith.constant 0 : i32
      %ne3A_455 = arith.cmpi ne, %rem3A_453, %ne3A_454 : i32
      %lt3A_456 = arith.constant 0 : i32
      %lt3A_457 = arith.cmpi slt, %rem3A_453, %lt3A_456 : i32
      %lt3A_458 = arith.constant 0 : i32
      %lt3A_459 = arith.cmpi slt, %select_n3A_452, %lt3A_458 : i32
      %ne3A_460 = arith.xori %lt3A_457, %lt3A_459 : i1
      %and3A_461 = arith.andi %ne3A_460, %ne3A_455 : i1
      %add3A_462 = arith.addi %rem3A_453, %select_n3A_452 : i32
      %select_n3A_463 = arith.select %and3A_461, %add3A_462, %rem3A_453 : i32
      %get3A_464 = arith.index_cast %select_n3A_447 : i32 to index
      %get3A_465 = arith.index_cast %select_n3A_463 : i32 to index
      %get3A_466 = arith.constant 0 : index
      %get3A_467 = tpu.vector_load %arg5[%get3A_464, %get3A_465, %get3A_466] {strides = array<i32>} : memref<25x8x128xi32, #tpu.memory_space<vmem>>, vector<16xi32>,
      %and3A_468 = arith.constant 511 : i32
      %and3A_469 = vector.broadcast %and3A_468 : i32 to vector<16xi32>
      %and3A_470 = arith.andi %get3A_467, %and3A_469 : vector<16xi32>
      %sub3A_471 = arith.subi %get3A_467, %and3A_470 : vector<16xi32>
      %and3A_472 = arith.constant 255 : i32
      %and3A_473 = vector.broadcast %and3A_472 : i32 to vector<16xi32>
      %and3A_474 = arith.andi %and3A_470, %and3A_473 : vector<16xi32>
      %shift_left3A_475 = arith.constant 1 : i32
      %shift_left3A_476 = vector.broadcast %shift_left3A_475 : i32 to vector<16xi32>
      %shift_left3A_477 = arith.shli %and3A_474, %shift_left3A_476 : vector<16xi32>
      %add3A_478 = arith.addi %sub3A_471, %shift_left3A_477 : vector<16xi32>
      %shift_right_arithmetic3A_479 = arith.constant 8 : i32
      %shift_right_arithmetic3A_480 = vector.broadcast %shift_right_arithmetic3A_479 : i32 to vector<16xi32>
      %shift_right_arithmetic3A_481 = arith.shrsi %and3A_470, %shift_right_arithmetic3A_480 : vector<16xi32>
      %add3A_482 = arith.addi %add3A_478, %shift_right_arithmetic3A_481 : vector<16xi32>
      %swap3A_483 = arith.index_cast %select_n3A_447 : i32 to index
      %swap3A_484 = arith.index_cast %select_n3A_463 : i32 to index
      %swap3A_485 = arith.constant 0 : index
      %swap3A_486 = tpu.vector_load %arg5[%swap3A_483, %swap3A_484, %swap3A_485] {strides = array<i32>} : memref<25x8x128xi32, #tpu.memory_space<vmem>>, vector<16xi32>,
      tpu.vector_store %arg5[%swap3A_483, %swap3A_484, %swap3A_485], %add3A_482 {strides = array<i32>} : memref<25x8x128xi32, #tpu.memory_space<vmem>>, vector<16xi32>,
      %get3A_487 = arith.index_cast %select_n3A_447 : i32 to index
      %get3A_488 = arith.index_cast %select_n3A_463 : i32 to index
      %get3A_489 = arith.constant 16 : index
      %get3A_490 = tpu.vector_load %arg5[%get3A_487, %get3A_488, %get3A_489] {strides = array<i32>} : memref<25x8x128xi32, #tpu.memory_space<vmem>>, vector<16xi32>,
      %and3A_491 = arith.constant 511 : i32
      %and3A_492 = vector.broadcast %and3A_491 : i32 to vector<16xi32>
      %and3A_493 = arith.andi %get3A_490, %and3A_492 : vector<16xi32>
      %sub3A_494 = arith.subi %get3A_490, %and3A_493 : vector<16xi32>
      %and3A_495 = arith.constant 255 : i32
      %and3A_496 = vector.broadcast %and3A_495 : i32 to vector<16xi32>
      %and3A_497 = arith.andi %and3A_493, %and3A_496 : vector<16xi32>
      %shift_left3A_498 = arith.constant 1 : i32
      %shift_left3A_499 = vector.broadcast %shift_left3A_498 : i32 to vector<16xi32>
      %shift_left3A_500 = arith.shli %and3A_497, %shift_left3A_499 : vector<16xi32>
      %add3A_501 = arith.addi %sub3A_494, %shift_left3A_500 : vector<16xi32>
      %shift_right_arithmetic3A_502 = arith.constant 8 : i32
      %shift_right_arithmetic3A_503 = vector.broadcast %shift_right_arithmetic3A_502 : i32 to vector<16xi32>
      %shift_right_arithmetic3A_504 = arith.shrsi %and3A_493, %shift_right_arithmetic3A_503 : vector<16xi32>
      %add3A_505 = arith.addi %add3A_501, %shift_right_arithmetic3A_504 : vector<16xi32>
      %swap3A_506 = arith.index_cast %select_n3A_447 : i32 to index
      %swap3A_507 = arith.index_cast %select_n3A_463 : i32 to index
      %swap3A_508 = arith.constant 16 : index
      %swap3A_509 = tpu.vector_load %arg5[%swap3A_506, %swap3A_507, %swap3A_508] {strides = array<i32>} : memref<25x8x128xi32, #tpu.memory_space<vmem>>, vector<16xi32>,
      tpu.vector_store %arg5[%swap3A_506, %swap3A_507, %swap3A_508], %add3A_505 {strides = array<i32>} : memref<25x8x128xi32, #tpu.memory_space<vmem>>, vector<16xi32>,
      %get3A_510 = arith.index_cast %select_n3A_447 : i32 to index
      %get3A_511 = arith.index_cast %select_n3A_463 : i32 to index
      %get3A_512 = arith.constant 32 : index
      %get3A_513 = tpu.vector_load %arg5[%get3A_510, %get3A_511, %get3A_512] {strides = array<i32>} : memref<25x8x128xi32, #tpu.memory_space<vmem>>, vector<16xi32>,
      %and3A_514 = arith.constant 511 : i32
      %and3A_515 = vector.broadcast %and3A_514 : i32 to vector<16xi32>
      %and3A_516 = arith.andi %get3A_513, %and3A_515 : vector<16xi32>
      %sub3A_517 = arith.subi %get3A_513, %and3A_516 : vector<16xi32>
      %and3A_518 = arith.constant 255 : i32
      %and3A_519 = vector.broadcast %and3A_518 : i32 to vector<16xi32>
      %and3A_520 = arith.andi %and3A_516, %and3A_519 : vector<16xi32>
      %shift_left3A_521 = arith.constant 1 : i32
      %shift_left3A_522 = vector.broadcast %shift_left3A_521 : i32 to vector<16xi32>
      %shift_left3A_523 = arith.shli %and3A_520, %shift_left3A_522 : vector<16xi32>
      %add3A_524 = arith.addi %sub3A_517, %shift_left3A_523 : vector<16xi32>
      %shift_right_arithmetic3A_525 = arith.constant 8 : i32
      %shift_right_arithmetic3A_526 = vector.broadcast %shift_right_arithmetic3A_525 : i32 to vector<16xi32>
      %shift_right_arithmetic3A_527 = arith.shrsi %and3A_516, %shift_right_arithmetic3A_526 : vector<16xi32>
      %add3A_528 = arith.addi %add3A_524, %shift_right_arithmetic3A_527 : vector<16xi32>
      %swap3A_529 = arith.index_cast %select_n3A_447 : i32 to index
      %swap3A_530 = arith.index_cast %select_n3A_463 : i32 to index
      %swap3A_531 = arith.constant 32 : index
      %swap3A_532 = tpu.vector_load %arg5[%swap3A_529, %swap3A_530, %swap3A_531] {strides = array<i32>} : memref<25x8x128xi32, #tpu.memory_space<vmem>>, vector<16xi32>,
      tpu.vector_store %arg5[%swap3A_529, %swap3A_530, %swap3A_531], %add3A_528 {strides = array<i32>} : memref<25x8x128xi32, #tpu.memory_space<vmem>>, vector<16xi32>,
      %get3A_533 = arith.index_cast %select_n3A_447 : i32 to index
      %get3A_534 = arith.index_cast %select_n3A_463 : i32 to index
      %get3A_535 = arith.constant 48 : index
      %get3A_536 = tpu.vector_load %arg5[%get3A_533, %get3A_534, %get3A_535] {strides = array<i32>} : memref<25x8x128xi32, #tpu.memory_space<vmem>>, vector<16xi32>,
      %and3A_537 = arith.constant 511 : i32
      %and3A_538 = vector.broadcast %and3A_537 : i32 to vector<16xi32>
      %and3A_539 = arith.andi %get3A_536, %and3A_538 : vector<16xi32>
      %sub3A_540 = arith.subi %get3A_536, %and3A_539 : vector<16xi32>
      %and3A_541 = arith.constant 255 : i32
      %and3A_542 = vector.broadcast %and3A_541 : i32 to vector<16xi32>
      %and3A_543 = arith.andi %and3A_539, %and3A_542 : vector<16xi32>
      %shift_left3A_544 = arith.constant 1 : i32
      %shift_left3A_545 = vector.broadcast %shift_left3A_544 : i32 to vector<16xi32>
      %shift_left3A_546 = arith.shli %and3A_543, %shift_left3A_545 : vector<16xi32>
      %add3A_547 = arith.addi %sub3A_540, %shift_left3A_546 : vector<16xi32>
      %shift_right_arithmetic3A_548 = arith.constant 8 : i32
      %shift_right_arithmetic3A_549 = vector.broadcast %shift_right_arithmetic3A_548 : i32 to vector<16xi32>
      %shift_right_arithmetic3A_550 = arith.shrsi %and3A_539, %shift_right_arithmetic3A_549 : vector<16xi32>
      %add3A_551 = arith.addi %add3A_547, %shift_right_arithmetic3A_550 : vector<16xi32>
      %swap3A_552 = arith.index_cast %select_n3A_447 : i32 to index
      %swap3A_553 = arith.index_cast %select_n3A_463 : i32 to index
      %swap3A_554 = arith.constant 48 : index
      %swap3A_555 = tpu.vector_load %arg5[%swap3A_552, %swap3A_553, %swap3A_554] {strides = array<i32>} : memref<25x8x128xi32, #tpu.memory_space<vmem>>, vector<16xi32>,
      tpu.vector_store %arg5[%swap3A_552, %swap3A_553, %swap3A_554], %add3A_551 {strides = array<i32>} : memref<25x8x128xi32, #tpu.memory_space<vmem>>, vector<16xi32>,
      %get3A_556 = arith.index_cast %select_n3A_447 : i32 to index
      %get3A_557 = arith.index_cast %select_n3A_463 : i32 to index
      %get3A_558 = arith.constant 64 : index
      %get3A_559 = tpu.vector_load %arg5[%get3A_556, %get3A_557, %get3A_558] {strides = array<i32>} : memref<25x8x128xi32, #tpu.memory_space<vmem>>, vector<16xi32>,
      %and3A_560 = arith.constant 511 : i32
      %and3A_561 = vector.broadcast %and3A_560 : i32 to vector<16xi32>
      %and3A_562 = arith.andi %get3A_559, %and3A_561 : vector<16xi32>
      %sub3A_563 = arith.subi %get3A_559, %and3A_562 : vector<16xi32>
      %and3A_564 = arith.constant 255 : i32
      %and3A_565 = vector.broadcast %and3A_564 : i32 to vector<16xi32>
      %and3A_566 = arith.andi %and3A_562, %and3A_565 : vector<16xi32>
      %shift_left3A_567 = arith.constant 1 : i32
      %shift_left3A_568 = vector.broadcast %shift_left3A_567 : i32 to vector<16xi32>
      %shift_left3A_569 = arith.shli %and3A_566, %shift_left3A_568 : vector<16xi32>
      %add3A_570 = arith.addi %sub3A_563, %shift_left3A_569 : vector<16xi32>
      %shift_right_arithmetic3A_571 = arith.constant 8 : i32
      %shift_right_arithmetic3A_572 = vector.broadcast %shift_right_arithmetic3A_571 : i32 to vector<16xi32>
      %shift_right_arithmetic3A_573 = arith.shrsi %and3A_562, %shift_right_arithmetic3A_572 : vector<16xi32>
      %add3A_574 = arith.addi %add3A_570, %shift_right_arithmetic3A_573 : vector<16xi32>
      %swap3A_575 = arith.index_cast %select_n3A_447 : i32 to index
      %swap3A_576 = arith.index_cast %select_n3A_463 : i32 to index
      %swap3A_577 = arith.constant 64 : index
      %swap3A_578 = tpu.vector_load %arg5[%swap3A_575, %swap3A_576, %swap3A_577] {strides = array<i32>} : memref<25x8x128xi32, #tpu.memory_space<vmem>>, vector<16xi32>,
      tpu.vector_store %arg5[%swap3A_575, %swap3A_576, %swap3A_577], %add3A_574 {strides = array<i32>} : memref<25x8x128xi32, #tpu.memory_space<vmem>>, vector<16xi32>,
      %get3A_579 = arith.index_cast %select_n3A_447 : i32 to index
      %get3A_580 = arith.index_cast %select_n3A_463 : i32 to index
      %get3A_581 = arith.constant 80 : index
      %get3A_582 = tpu.vector_load %arg5[%get3A_579, %get3A_580, %get3A_581] {strides = array<i32>} : memref<25x8x128xi32, #tpu.memory_space<vmem>>, vector<16xi32>,
      %and3A_583 = arith.constant 511 : i32
      %and3A_584 = vector.broadcast %and3A_583 : i32 to vector<16xi32>
      %and3A_585 = arith.andi %get3A_582, %and3A_584 : vector<16xi32>
      %sub3A_586 = arith.subi %get3A_582, %and3A_585 : vector<16xi32>
      %and3A_587 = arith.constant 255 : i32
      %and3A_588 = vector.broadcast %and3A_587 : i32 to vector<16xi32>
      %and3A_589 = arith.andi %and3A_585, %and3A_588 : vector<16xi32>
      %shift_left3A_590 = arith.constant 1 : i32
      %shift_left3A_591 = vector.broadcast %shift_left3A_590 : i32 to vector<16xi32>
      %shift_left3A_592 = arith.shli %and3A_589, %shift_left3A_591 : vector<16xi32>
      %add3A_593 = arith.addi %sub3A_586, %shift_left3A_592 : vector<16xi32>
      %shift_right_arithmetic3A_594 = arith.constant 8 : i32
      %shift_right_arithmetic3A_595 = vector.broadcast %shift_right_arithmetic3A_594 : i32 to vector<16xi32>
      %shift_right_arithmetic3A_596 = arith.shrsi %and3A_585, %shift_right_arithmetic3A_595 : vector<16xi32>
      %add3A_597 = arith.addi %add3A_593, %shift_right_arithmetic3A_596 : vector<16xi32>
      %swap3A_598 = arith.index_cast %select_n3A_447 : i32 to index
      %swap3A_599 = arith.index_cast %select_n3A_463 : i32 to index
      %swap3A_600 = arith.constant 80 : index
      %swap3A_601 = tpu.vector_load %arg5[%swap3A_598, %swap3A_599, %swap3A_600] {strides = array<i32>} : memref<25x8x128xi32, #tpu.memory_space<vmem>>, vector<16xi32>,
      tpu.vector_store %arg5[%swap3A_598, %swap3A_599, %swap3A_600], %add3A_597 {strides = array<i32>} : memref<25x8x128xi32, #tpu.memory_space<vmem>>, vector<16xi32>,
      %get3A_602 = arith.index_cast %select_n3A_447 : i32 to index
      %get3A_603 = arith.index_cast %select_n3A_463 : i32 to index
      %get3A_604 = arith.constant 96 : index
      %get3A_605 = tpu.vector_load %arg5[%get3A_602, %get3A_603, %get3A_604] {strides = array<i32>} : memref<25x8x128xi32, #tpu.memory_space<vmem>>, vector<16xi32>,
      %and3A_606 = arith.constant 511 : i32
      %and3A_607 = vector.broadcast %and3A_606 : i32 to vector<16xi32>
      %and3A_608 = arith.andi %get3A_605, %and3A_607 : vector<16xi32>
      %sub3A_609 = arith.subi %get3A_605, %and3A_608 : vector<16xi32>
      %and3A_610 = arith.constant 255 : i32
      %and3A_611 = vector.broadcast %and3A_610 : i32 to vector<16xi32>
      %and3A_612 = arith.andi %and3A_608, %and3A_611 : vector<16xi32>
      %shift_left3A_613 = arith.constant 1 : i32
      %shift_left3A_614 = vector.broadcast %shift_left3A_613 : i32 to vector<16xi32>
      %shift_left3A_615 = arith.shli %and3A_612, %shift_left3A_614 : vector<16xi32>
      %add3A_616 = arith.addi %sub3A_609, %shift_left3A_615 : vector<16xi32>
      %shift_right_arithmetic3A_617 = arith.constant 8 : i32
      %shift_right_arithmetic3A_618 = vector.broadcast %shift_right_arithmetic3A_617 : i32 to vector<16xi32>
      %shift_right_arithmetic3A_619 = arith.shrsi %and3A_608, %shift_right_arithmetic3A_618 : vector<16xi32>
      %add3A_620 = arith.addi %add3A_616, %shift_right_arithmetic3A_619 : vector<16xi32>
      %swap3A_621 = arith.index_cast %select_n3A_447 : i32 to index
      %swap3A_622 = arith.index_cast %select_n3A_463 : i32 to index
      %swap3A_623 = arith.constant 96 : index
      %swap3A_624 = tpu.vector_load %arg5[%swap3A_621, %swap3A_622, %swap3A_623] {strides = array<i32>} : memref<25x8x128xi32, #tpu.memory_space<vmem>>, vector<16xi32>,
      tpu.vector_store %arg5[%swap3A_621, %swap3A_622, %swap3A_623], %add3A_620 {strides = array<i32>} : memref<25x8x128xi32, #tpu.memory_space<vmem>>, vector<16xi32>,
      %get3A_625 = arith.index_cast %select_n3A_447 : i32 to index
      %get3A_626 = arith.index_cast %select_n3A_463 : i32 to index
      %get3A_627 = arith.constant 112 : index
      %get3A_628 = tpu.vector_load %arg5[%get3A_625, %get3A_626, %get3A_627] {strides = array<i32>} : memref<25x8x128xi32, #tpu.memory_space<vmem>>, vector<16xi32>,
      %and3A_629 = arith.constant 511 : i32
      %and3A_630 = vector.broadcast %and3A_629 : i32 to vector<16xi32>
      %and3A_631 = arith.andi %get3A_628, %and3A_630 : vector<16xi32>
      %sub3A_632 = arith.subi %get3A_628, %and3A_631 : vector<16xi32>
      %and3A_633 = arith.constant 255 : i32
      %and3A_634 = vector.broadcast %and3A_633 : i32 to vector<16xi32>
      %and3A_635 = arith.andi %and3A_631, %and3A_634 : vector<16xi32>
      %shift_left3A_636 = arith.constant 1 : i32
      %shift_left3A_637 = vector.broadcast %shift_left3A_636 : i32 to vector<16xi32>
      %shift_left3A_638 = arith.shli %and3A_635, %shift_left3A_637 : vector<16xi32>
      %add3A_639 = arith.addi %sub3A_632, %shift_left3A_638 : vector<16xi32>
      %shift_right_arithmetic3A_640 = arith.constant 8 : i32
      %shift_right_arithmetic3A_641 = vector.broadcast %shift_right_arithmetic3A_640 : i32 to vector<16xi32>
      %shift_right_arithmetic3A_642 = arith.shrsi %and3A_631, %shift_right_arithmetic3A_641 : vector<16xi32>
      %add3A_643 = arith.addi %add3A_639, %shift_right_arithmetic3A_642 : vector<16xi32>
      %swap3A_644 = arith.index_cast %select_n3A_447 : i32 to index
      %swap3A_645 = arith.index_cast %select_n3A_463 : i32 to index
      %swap3A_646 = arith.constant 112 : index
      %swap3A_647 = tpu.vector_load %arg5[%swap3A_644, %swap3A_645, %swap3A_646] {strides = array<i32>} : memref<25x8x128xi32, #tpu.memory_space<vmem>>, vector<16xi32>,
      tpu.vector_store %arg5[%swap3A_644, %swap3A_645, %swap3A_646], %add3A_643 {strides = array<i32>} : memref<25x8x128xi32, #tpu.memory_space<vmem>>, vector<16xi32>,
    }
    %scan3A_86 = arith.constant 200 : i32
    %dma_start3A_87 = arith.constant 0 : i32
    %dma_start3A_88 = arith.constant 0 : i32
    %dma_start3A_89 = arith.constant 0 : i32
    %dma_start3A_90 = arith.constant 0 : i32
    %dma_start3A_91 = arith.constant 0 : i32
    %dma_start3A_92 = arith.constant 0 : i32
    %dma_start3A_93 = tpu.memref_slice %arg6[%dma_start3A_89, %dma_start3A_91, %dma_start3A_92] : memref<4x128x64xf32, #tpu.memory_space<vmem>> -> memref<1x128x64xf32, #tpu.memory_space<vmem>>
    %dma_start3A_94 = tpu.memref_squeeze %dma_start3A_93 : memref<1x128x64xf32, #tpu.memory_space<vmem>> -> memref<128x64xf32, #tpu.memory_space<vmem>>
    %dma_start3A_95 = arith.constant 0 : i32
    %dma_start3A_96 = tpu.memref_slice %arg5[%dma_start3A_87, %dma_start3A_88, %dma_start3A_95] : memref<25x8x128xi32, #tpu.memory_space<vmem>> -> memref<1x1x128xi32, #tpu.memory_space<vmem>>
    %dma_start3A_97 = tpu.memref_squeeze %dma_start3A_96 : memref<1x1x128xi32, #tpu.memory_space<vmem>> -> memref<128xi32, #tpu.memory_space<vmem>>
    %dma_start3A_98 = arith.constant 0 : i32
    %dma_start3A_99 = arith.constant 0 : i32
    %dma_start3A_100 = tpu.memref_slice %arg3[%dma_start3A_98, %dma_start3A_99] : memref<1000448x64xf32, #tpu.memory_space<hbm>> -> memref<1000448x64xf32, #tpu.memory_space<hbm>>
    %dma_start3A_101 = tpu.memref_slice %arg9[%dma_start3A_90] : memref<4x!tpu.dma_semaphore, #tpu.memory_space<semaphore_mem>> -> memref<1x!tpu.dma_semaphore, #tpu.memory_space<semaphore_mem>>
    %dma_start3A_102 = tpu.memref_squeeze %dma_start3A_101 : memref<1x!tpu.dma_semaphore, #tpu.memory_space<semaphore_mem>> -> memref<!tpu.dma_semaphore, #tpu.memory_space<semaphore_mem>>
    tpu.enqueue_indirect_dma source(%dma_start3A_100 : memref<1000448x64xf32, #tpu.memory_space<hbm>>) target(%dma_start3A_94 : memref<128x64xf32, #tpu.memory_space<vmem>>) offsets(%dma_start3A_97 : memref<128xi32, #tpu.memory_space<vmem>>) semaphore(%dma_start3A_102 : memref<!tpu.dma_semaphore, #tpu.memory_space<semaphore_mem>>)
    %scan3A_103 = arith.constant 0 : i32
    %scan3A_104 = arith.constant 0 : i32
    %scan3A_105 = arith.constant 50 : i32
    %scan3A_106 = arith.addi %scan3A_104, %scan3A_105 : i32
    %scan3A_107 = arith.constant 1 : i32
    scf.for %scan3A_209 = %scan3A_104 to %scan3A_106 step %scan3A_107  : i32 {
      %mul3A_210 = arith.constant 4 : i32
      %mul3A_211 = arith.muli %scan3A_209, %mul3A_210 : i32
      %add3A_212 = arith.constant 0 : i32
      %add3A_213 = arith.addi %mul3A_211, %add3A_212 : i32
      %lt3A = arith.constant 199 : i32
      %lt3A_214 = arith.cmpi slt, %add3A_213, %lt3A : i32
      %convert_element_type3A = arith.extui %lt3A_214 : i1 to i32
      %cond3A = arith.constant 0 : i32
      %cond3A_215 = arith.cmpi ne, %convert_element_type3A, %cond3A : i32
      scf.if %cond3A_215 {
        %add3A_566 = arith.constant 1 : i32
        %add3A_567 = arith.addi %add3A_213, %add3A_566 : i32
        %jit3A_568 = arith.constant 8 : i32
        %div3A_569 = arith.divsi %add3A_567, %jit3A_568 : i32
        %sign3A_570 = arith.constant 0 : i32
        %sign3A_571 = arith.cmpi sgt, %add3A_567, %sign3A_570 : i32
        %sign3A_572 = arith.extui %sign3A_571 : i1 to i32
        %sign3A_573 = arith.constant 0 : i32
        %sign3A_574 = arith.cmpi slt, %add3A_567, %sign3A_573 : i32
        %sign3A_575 = arith.extui %sign3A_574 : i1 to i32
        %sign3A_576 = arith.subi %sign3A_572, %sign3A_575 : i32
        %sign3A_577 = arith.constant 0 : i32
        %sign3A_578 = arith.cmpi sgt, %jit3A_568, %sign3A_577 : i32
        %sign3A_579 = arith.extui %sign3A_578 : i1 to i32
        %sign3A_580 = arith.constant 0 : i32
        %sign3A_581 = arith.cmpi slt, %jit3A_568, %sign3A_580 : i32
        %sign3A_582 = arith.extui %sign3A_581 : i1 to i32
        %sign3A_583 = arith.subi %sign3A_579, %sign3A_582 : i32
        %ne3A_584 = arith.cmpi ne, %sign3A_576, %sign3A_583 : i32
        %rem3A_585 = arith.remsi %add3A_567, %jit3A_568 : i32
        %ne3A_586 = arith.constant 0 : i32
        %ne3A_587 = arith.cmpi ne, %rem3A_585, %ne3A_586 : i32
        %and3A_588 = arith.andi %ne3A_584, %ne3A_587 : i1
        %sub3A_589 = arith.constant 1 : i32
        %sub3A_590 = arith.subi %div3A_569, %sub3A_589 : i32
        %select_n3A_591 = arith.select %and3A_588, %sub3A_590, %div3A_569 : i32
        %jit3A_592 = arith.constant 8 : i32
        %eq3A_593 = arith.constant 0 : i32
        %eq3A_594 = arith.cmpi eq, %jit3A_592, %eq3A_593 : i32
        %jit3A_595 = arith.constant 1 : i32
        %select_n3A_596 = arith.select %eq3A_594, %jit3A_595, %jit3A_592 : i32
        %rem3A_597 = arith.remsi %add3A_567, %select_n3A_596 : i32
        %ne3A_598 = arith.constant 0 : i32
        %ne3A_599 = arith.cmpi ne, %rem3A_597, %ne3A_598 : i32
        %lt3A_600 = arith.constant 0 : i32
        %lt3A_601 = arith.cmpi slt, %rem3A_597, %lt3A_600 : i32
        %lt3A_602 = arith.constant 0 : i32
        %lt3A_603 = arith.cmpi slt, %select_n3A_596, %lt3A_602 : i32
        %ne3A_604 = arith.xori %lt3A_601, %lt3A_603 : i1
        %and3A_605 = arith.andi %ne3A_604, %ne3A_599 : i1
        %add3A_606 = arith.addi %rem3A_597, %select_n3A_596 : i32
        %select_n3A_607 = arith.select %and3A_605, %add3A_606, %rem3A_597 : i32
        %dma_start3A_608 = arith.constant 1 : i32
        %dma_start3A_609 = arith.constant 1 : i32
        %dma_start3A_610 = arith.constant 0 : i32
        %dma_start3A_611 = arith.constant 0 : i32
        %dma_start3A_612 = tpu.memref_slice %arg6[%dma_start3A_608, %dma_start3A_610, %dma_start3A_611] : memref<4x128x64xf32, #tpu.memory_space<vmem>> -> memref<1x128x64xf32, #tpu.memory_space<vmem>>
        %dma_start3A_613 = tpu.memref_squeeze %dma_start3A_612 : memref<1x128x64xf32, #tpu.memory_space<vmem>> -> memref<128x64xf32, #tpu.memory_space<vmem>>
        %dma_start3A_614 = arith.constant 0 : i32
        %dma_start3A_615 = tpu.memref_slice %arg5[%select_n3A_591, %select_n3A_607, %dma_start3A_614] : memref<25x8x128xi32, #tpu.memory_space<vmem>> -> memref<1x1x128xi32, #tpu.memory_space<vmem>>
        %dma_start3A_616 = tpu.memref_squeeze %dma_start3A_615 : memref<1x1x128xi32, #tpu.memory_space<vmem>> -> memref<128xi32, #tpu.memory_space<vmem>>
        %dma_start3A_617 = arith.constant 0 : i32
        %dma_start3A_618 = arith.constant 0 : i32
        %dma_start3A_619 = tpu.memref_slice %arg3[%dma_start3A_617, %dma_start3A_618] : memref<1000448x64xf32, #tpu.memory_space<hbm>> -> memref<1000448x64xf32, #tpu.memory_space<hbm>>
        %dma_start3A_620 = tpu.memref_slice %arg9[%dma_start3A_609] : memref<4x!tpu.dma_semaphore, #tpu.memory_space<semaphore_mem>> -> memref<1x!tpu.dma_semaphore, #tpu.memory_space<semaphore_mem>>
        %dma_start3A_621 = tpu.memref_squeeze %dma_start3A_620 : memref<1x!tpu.dma_semaphore, #tpu.memory_space<semaphore_mem>> -> memref<!tpu.dma_semaphore, #tpu.memory_space<semaphore_mem>>
        tpu.enqueue_indirect_dma source(%dma_start3A_619 : memref<1000448x64xf32, #tpu.memory_space<hbm>>) target(%dma_start3A_613 : memref<128x64xf32, #tpu.memory_space<vmem>>) offsets(%dma_start3A_616 : memref<128xi32, #tpu.memory_space<vmem>>) semaphore(%dma_start3A_621 : memref<!tpu.dma_semaphore, #tpu.memory_space<semaphore_mem>>)
      } else {
      }
      %jit3A = arith.constant 8 : i32
      %div3A = arith.divsi %add3A_213, %jit3A : i32
      %sign3A = arith.constant 0 : i32
      %sign3A_216 = arith.cmpi sgt, %add3A_213, %sign3A : i32
      %sign3A_217 = arith.extui %sign3A_216 : i1 to i32
      %sign3A_218 = arith.constant 0 : i32
      %sign3A_219 = arith.cmpi slt, %add3A_213, %sign3A_218 : i32
      %sign3A_220 = arith.extui %sign3A_219 : i1 to i32
      %sign3A_221 = arith.subi %sign3A_217, %sign3A_220 : i32
      %sign3A_222 = arith.constant 0 : i32
      %sign3A_223 = arith.cmpi sgt, %jit3A, %sign3A_222 : i32
      %sign3A_224 = arith.extui %sign3A_223 : i1 to i32
      %sign3A_225 = arith.constant 0 : i32
      %sign3A_226 = arith.cmpi slt, %jit3A, %sign3A_225 : i32
      %sign3A_227 = arith.extui %sign3A_226 : i1 to i32
      %sign3A_228 = arith.subi %sign3A_224, %sign3A_227 : i32
      %ne3A = arith.cmpi ne, %sign3A_221, %sign3A_228 : i32
      %rem3A = arith.remsi %add3A_213, %jit3A : i32
      %ne3A_229 = arith.constant 0 : i32
      %ne3A_230 = arith.cmpi ne, %rem3A, %ne3A_229 : i32
      %and3A_231 = arith.andi %ne3A, %ne3A_230 : i1
      %sub3A = arith.constant 1 : i32
      %sub3A_232 = arith.subi %div3A, %sub3A : i32
      %select_n3A = arith.select %and3A_231, %sub3A_232, %div3A : i32
      %jit3A_233 = arith.constant 8 : i32
      %eq3A = arith.constant 0 : i32
      %eq3A_234 = arith.cmpi eq, %jit3A_233, %eq3A : i32
      %jit3A_235 = arith.constant 1 : i32
      %select_n3A_236 = arith.select %eq3A_234, %jit3A_235, %jit3A_233 : i32
      %rem3A_237 = arith.remsi %add3A_213, %select_n3A_236 : i32
      %ne3A_238 = arith.constant 0 : i32
      %ne3A_239 = arith.cmpi ne, %rem3A_237, %ne3A_238 : i32
      %lt3A_240 = arith.constant 0 : i32
      %lt3A_241 = arith.cmpi slt, %rem3A_237, %lt3A_240 : i32
      %lt3A_242 = arith.constant 0 : i32
      %lt3A_243 = arith.cmpi slt, %select_n3A_236, %lt3A_242 : i32
      %ne3A_244 = arith.xori %lt3A_241, %lt3A_243 : i1
      %and3A_245 = arith.andi %ne3A_244, %ne3A_239 : i1
      %add3A_246 = arith.addi %rem3A_237, %select_n3A_236 : i32
      %select_n3A_247 = arith.select %and3A_245, %add3A_246, %rem3A_237 : i32
      %dma_wait3A_248 = arith.constant 0 : i32
      %dma_wait3A_249 = arith.constant 0 : i32
      %dma_wait3A_250 = arith.constant 0 : i32
      %dma_wait3A_251 = arith.constant 0 : i32
      %dma_wait3A_252 = tpu.memref_slice %arg6[%dma_wait3A_248, %dma_wait3A_250, %dma_wait3A_251] : memref<4x128x64xf32, #tpu.memory_space<vmem>> -> memref<1x128x64xf32, #tpu.memory_space<vmem>>
      %dma_wait3A_253 = tpu.memref_squeeze %dma_wait3A_252 : memref<1x128x64xf32, #tpu.memory_space<vmem>> -> memref<128x64xf32, #tpu.memory_space<vmem>>
      %dma_wait3A_254 = arith.constant 0 : i32
      %dma_wait3A_255 = tpu.memref_slice %arg5[%select_n3A, %select_n3A_247, %dma_wait3A_254] : memref<25x8x128xi32, #tpu.memory_space<vmem>> -> memref<1x1x128xi32, #tpu.memory_space<vmem>>
      %dma_wait3A_256 = tpu.memref_squeeze %dma_wait3A_255 : memref<1x1x128xi32, #tpu.memory_space<vmem>> -> memref<128xi32, #tpu.memory_space<vmem>>
      %dma_wait3A_257 = arith.constant 0 : i32
      %dma_wait3A_258 = arith.constant 0 : i32
      %dma_wait3A_259 = tpu.memref_slice %arg3[%dma_wait3A_257, %dma_wait3A_258] : memref<1000448x64xf32, #tpu.memory_space<hbm>> -> memref<1000448x64xf32, #tpu.memory_space<hbm>>
      %dma_wait3A_260 = tpu.memref_slice %arg9[%dma_wait3A_249] : memref<4x!tpu.dma_semaphore, #tpu.memory_space<semaphore_mem>> -> memref<1x!tpu.dma_semaphore, #tpu.memory_space<semaphore_mem>>
      %dma_wait3A_261 = tpu.memref_squeeze %dma_wait3A_260 : memref<1x!tpu.dma_semaphore, #tpu.memory_space<semaphore_mem>> -> memref<!tpu.dma_semaphore, #tpu.memory_space<semaphore_mem>>
      tpu.wait_indirect_dma semaphore(%dma_wait3A_261 : memref<!tpu.dma_semaphore, #tpu.memory_space<semaphore_mem>>) src(%dma_wait3A_259 : memref<1000448x64xf32, #tpu.memory_space<hbm>>) dst(%dma_wait3A_253 : memref<128x64xf32, #tpu.memory_space<vmem>>)
      %ge3A = arith.constant 4 : i32
      %ge3A_262 = arith.cmpi sge, %add3A_213, %ge3A : i32
      %convert_element_type3A_263 = arith.extui %ge3A_262 : i1 to i32
      %cond3A_264 = arith.constant 0 : i32
      %cond3A_265 = arith.cmpi ne, %convert_element_type3A_263, %cond3A_264 : i32
      scf.if %cond3A_265 {
        %dma_wait3A_566 = arith.constant 0 : i32
        %dma_wait3A_567 = arith.constant 0 : i32
        %dma_wait3A_568 = arith.constant 0 : i32
        %dma_wait3A_569 = arith.constant 0 : i32
        %dma_wait3A_570 = arith.constant 0 : i32
        %dma_wait3A_571 = arith.constant 0 : i32
        %dma_wait3A_572 = tpu.memref_slice %arg7[%dma_wait3A_566, %dma_wait3A_569, %dma_wait3A_570, %dma_wait3A_571] : memref<4x8x8x129xf32, #tpu.memory_space<vmem>> -> memref<1x8x8x128xf32, #tpu.memory_space<vmem>>
        %dma_wait3A_573 = tpu.memref_squeeze %dma_wait3A_572 : memref<1x8x8x128xf32, #tpu.memory_space<vmem>> -> memref<8x8x128xf32, #tpu.memory_space<vmem>>
        %dma_wait3A_574 = arith.constant 0 : i32
        %dma_wait3A_575 = arith.constant 0 : i32
        %dma_wait3A_576 = arith.constant 0 : i32
        %dma_wait3A_577 = tpu.memref_slice %arg4[%dma_wait3A_567, %dma_wait3A_574, %add3A, %dma_wait3A_575, %dma_wait3A_576] : memref<200x8x32x8x128xf32, #tpu.memory_space<hbm>> -> memref<1x8x1x8x128xf32, #tpu.memory_space<hbm>>
        %dma_wait3A_578 = tpu.memref_squeeze %dma_wait3A_577 : memref<1x8x1x8x128xf32, #tpu.memory_space<hbm>> -> memref<8x8x128xf32, #tpu.memory_space<hbm>>
        %dma_wait3A_579 = tpu.memref_slice %arg10[%dma_wait3A_568] : memref<4x!tpu.dma_semaphore, #tpu.memory_space<semaphore_mem>> -> memref<1x!tpu.dma_semaphore, #tpu.memory_space<semaphore_mem>>
        %dma_wait3A_580 = tpu.memref_squeeze %dma_wait3A_579 : memref<1x!tpu.dma_semaphore, #tpu.memory_space<semaphore_mem>> -> memref<!tpu.dma_semaphore, #tpu.memory_space<semaphore_mem>>
        %dma_wait3A_581 = arith.constant 0 : i32
        %dma_wait3A_582 = arith.constant 0 : i32
        %dma_wait3A_583 = arith.constant 0 : i32
        %dma_wait3A_584 = tpu.memref_slice %arg4[%dma_wait3A_567, %dma_wait3A_581, %add3A, %dma_wait3A_582, %dma_wait3A_583] : memref<200x8x32x8x128xf32, #tpu.memory_space<hbm>> -> memref<1x8x1x8x128xf32, #tpu.memory_space<hbm>>
        %dma_wait3A_585 = tpu.memref_squeeze %dma_wait3A_584 : memref<1x8x1x8x128xf32, #tpu.memory_space<hbm>> -> memref<8x8x128xf32, #tpu.memory_space<hbm>>
        %dma_wait3A_586 = arith.constant 0 : i32
        %dma_wait3A_587 = arith.constant 0 : i32
        %dma_wait3A_588 = arith.constant 0 : i32
        %dma_wait3A_589 = tpu.memref_slice %arg7[%dma_wait3A_566, %dma_wait3A_586, %dma_wait3A_587, %dma_wait3A_588] : memref<4x8x8x129xf32, #tpu.memory_space<vmem>> -> memref<1x8x8x128xf32, #tpu.memory_space<vmem>>
        %dma_wait3A_590 = tpu.memref_squeeze %dma_wait3A_589 : memref<1x8x8x128xf32, #tpu.memory_space<vmem>> -> memref<8x8x128xf32, #tpu.memory_space<vmem>>
        tpu.wait_dma2 semaphore(%dma_wait3A_580 : memref<!tpu.dma_semaphore, #tpu.memory_space<semaphore_mem>>) src(%dma_wait3A_590 : memref<8x8x128xf32, #tpu.memory_space<vmem>>) dst(%dma_wait3A_585 : memref<8x8x128xf32, #tpu.memory_space<hbm>>)
      } else {
      }
      %dma_start3A_266 = arith.constant 0 : i32
      %dma_start3A_267 = arith.constant 0 : i32
      %dma_start3A_268 = arith.constant 0 : i32
      %dma_start3A_269 = arith.constant 0 : i32
      %dma_start3A_270 = arith.constant 0 : i32
      %dma_start3A_271 = tpu.memref_slice %arg7[%dma_start3A_266, %dma_start3A_268, %dma_start3A_269, %dma_start3A_270] : memref<4x8x8x129xf32, #tpu.memory_space<vmem>> -> memref<1x8x8x128xf32, #tpu.memory_space<vmem>>
      %dma_start3A_272 = tpu.memref_squeeze %dma_start3A_271 : memref<1x8x8x128xf32, #tpu.memory_space<vmem>> -> memref<8x8x128xf32, #tpu.memory_space<vmem>>
      %dma_start3A_273 = arith.constant 0 : i32
      %dma_start3A_274 = arith.constant 0 : i32
      %dma_start3A_275 = arith.constant 0 : i32
      %dma_start3A_276 = tpu.memref_slice %arg4[%add3A_213, %dma_start3A_273, %add3A, %dma_start3A_274, %dma_start3A_275] : memref<200x8x32x8x128xf32, #tpu.memory_space<hbm>> -> memref<1x8x1x8x128xf32, #tpu.memory_space<hbm>>
      %dma_start3A_277 = tpu.memref_squeeze %dma_start3A_276 : memref<1x8x1x8x128xf32, #tpu.memory_space<hbm>> -> memref<8x8x128xf32, #tpu.memory_space<hbm>>
      %dma_start3A_278 = tpu.memref_slice %arg10[%dma_start3A_267] : memref<4x!tpu.dma_semaphore, #tpu.memory_space<semaphore_mem>> -> memref<1x!tpu.dma_semaphore, #tpu.memory_space<semaphore_mem>>
      %dma_start3A_279 = tpu.memref_squeeze %dma_start3A_278 : memref<1x!tpu.dma_semaphore, #tpu.memory_space<semaphore_mem>> -> memref<!tpu.dma_semaphore, #tpu.memory_space<semaphore_mem>>
      %dma_start3A_280 = arith.constant 0 : i32
      %dma_start3A_281 = arith.constant 0 : i32
      %dma_start3A_282 = arith.constant 0 : i32
      %dma_start3A_283 = tpu.memref_slice %arg4[%add3A_213, %dma_start3A_280, %add3A, %dma_start3A_281, %dma_start3A_282] : memref<200x8x32x8x128xf32, #tpu.memory_space<hbm>> -> memref<1x8x1x8x128xf32, #tpu.memory_space<hbm>>
      %dma_start3A_284 = tpu.memref_squeeze %dma_start3A_283 : memref<1x8x1x8x128xf32, #tpu.memory_space<hbm>> -> memref<8x8x128xf32, #tpu.memory_space<hbm>>
      %dma_start3A_285 = arith.constant 0 : i32
      %dma_start3A_286 = arith.constant 0 : i32
      %dma_start3A_287 = arith.constant 0 : i32
      %dma_start3A_288 = tpu.memref_slice %arg7[%dma_start3A_266, %dma_start3A_285, %dma_start3A_286, %dma_start3A_287] : memref<4x8x8x129xf32, #tpu.memory_space<vmem>> -> memref<1x8x8x128xf32, #tpu.memory_space<vmem>>
      %dma_start3A_289 = tpu.memref_squeeze %dma_start3A_288 : memref<1x8x8x128xf32, #tpu.memory_space<vmem>> -> memref<8x8x128xf32, #tpu.memory_space<vmem>>
      tpu.enqueue_dma source(%dma_start3A_289 : memref<8x8x128xf32, #tpu.memory_space<vmem>>) target(%dma_start3A_284 : memref<8x8x128xf32, #tpu.memory_space<hbm>>) target_semaphore(%dma_start3A_279 : memref<!tpu.dma_semaphore, #tpu.memory_space<semaphore_mem>>)
      %mul3A_290 = arith.constant 4 : i32
      %mul3A_291 = arith.muli %scan3A_209, %mul3A_290 : i32
      %add3A_292 = arith.constant 1 : i32
      %add3A_293 = arith.addi %mul3A_291, %add3A_292 : i32
      %lt3A_294 = arith.constant 199 : i32
      %lt3A_295 = arith.cmpi slt, %add3A_293, %lt3A_294 : i32
      %convert_element_type3A_296 = arith.extui %lt3A_295 : i1 to i32
      %cond3A_297 = arith.constant 0 : i32
      %cond3A_298 = arith.cmpi ne, %convert_element_type3A_296, %cond3A_297 : i32
      scf.if %cond3A_298 {
        %add3A_566 = arith.constant 1 : i32
        %add3A_567 = arith.addi %add3A_293, %add3A_566 : i32
        %jit3A_568 = arith.constant 8 : i32
        %div3A_569 = arith.divsi %add3A_567, %jit3A_568 : i32
        %sign3A_570 = arith.constant 0 : i32
        %sign3A_571 = arith.cmpi sgt, %add3A_567, %sign3A_570 : i32
        %sign3A_572 = arith.extui %sign3A_571 : i1 to i32
        %sign3A_573 = arith.constant 0 : i32
        %sign3A_574 = arith.cmpi slt, %add3A_567, %sign3A_573 : i32
        %sign3A_575 = arith.extui %sign3A_574 : i1 to i32
        %sign3A_576 = arith.subi %sign3A_572, %sign3A_575 : i32
        %sign3A_577 = arith.constant 0 : i32
        %sign3A_578 = arith.cmpi sgt, %jit3A_568, %sign3A_577 : i32
        %sign3A_579 = arith.extui %sign3A_578 : i1 to i32
        %sign3A_580 = arith.constant 0 : i32
        %sign3A_581 = arith.cmpi slt, %jit3A_568, %sign3A_580 : i32
        %sign3A_582 = arith.extui %sign3A_581 : i1 to i32
        %sign3A_583 = arith.subi %sign3A_579, %sign3A_582 : i32
        %ne3A_584 = arith.cmpi ne, %sign3A_576, %sign3A_583 : i32
        %rem3A_585 = arith.remsi %add3A_567, %jit3A_568 : i32
        %ne3A_586 = arith.constant 0 : i32
        %ne3A_587 = arith.cmpi ne, %rem3A_585, %ne3A_586 : i32
        %and3A_588 = arith.andi %ne3A_584, %ne3A_587 : i1
        %sub3A_589 = arith.constant 1 : i32
        %sub3A_590 = arith.subi %div3A_569, %sub3A_589 : i32
        %select_n3A_591 = arith.select %and3A_588, %sub3A_590, %div3A_569 : i32
        %jit3A_592 = arith.constant 8 : i32
        %eq3A_593 = arith.constant 0 : i32
        %eq3A_594 = arith.cmpi eq, %jit3A_592, %eq3A_593 : i32
        %jit3A_595 = arith.constant 1 : i32
        %select_n3A_596 = arith.select %eq3A_594, %jit3A_595, %jit3A_592 : i32
        %rem3A_597 = arith.remsi %add3A_567, %select_n3A_596 : i32
        %ne3A_598 = arith.constant 0 : i32
        %ne3A_599 = arith.cmpi ne, %rem3A_597, %ne3A_598 : i32
        %lt3A_600 = arith.constant 0 : i32
        %lt3A_601 = arith.cmpi slt, %rem3A_597, %lt3A_600 : i32
        %lt3A_602 = arith.constant 0 : i32
        %lt3A_603 = arith.cmpi slt, %select_n3A_596, %lt3A_602 : i32
        %ne3A_604 = arith.xori %lt3A_601, %lt3A_603 : i1
        %and3A_605 = arith.andi %ne3A_604, %ne3A_599 : i1
        %add3A_606 = arith.addi %rem3A_597, %select_n3A_596 : i32
        %select_n3A_607 = arith.select %and3A_605, %add3A_606, %rem3A_597 : i32
        %dma_start3A_608 = arith.constant 2 : i32
        %dma_start3A_609 = arith.constant 2 : i32
        %dma_start3A_610 = arith.constant 0 : i32
        %dma_start3A_611 = arith.constant 0 : i32
        %dma_start3A_612 = tpu.memref_slice %arg6[%dma_start3A_608, %dma_start3A_610, %dma_start3A_611] : memref<4x128x64xf32, #tpu.memory_space<vmem>> -> memref<1x128x64xf32, #tpu.memory_space<vmem>>
        %dma_start3A_613 = tpu.memref_squeeze %dma_start3A_612 : memref<1x128x64xf32, #tpu.memory_space<vmem>> -> memref<128x64xf32, #tpu.memory_space<vmem>>
        %dma_start3A_614 = arith.constant 0 : i32
        %dma_start3A_615 = tpu.memref_slice %arg5[%select_n3A_591, %select_n3A_607, %dma_start3A_614] : memref<25x8x128xi32, #tpu.memory_space<vmem>> -> memref<1x1x128xi32, #tpu.memory_space<vmem>>
        %dma_start3A_616 = tpu.memref_squeeze %dma_start3A_615 : memref<1x1x128xi32, #tpu.memory_space<vmem>> -> memref<128xi32, #tpu.memory_space<vmem>>
        %dma_start3A_617 = arith.constant 0 : i32
        %dma_start3A_618 = arith.constant 0 : i32
        %dma_start3A_619 = tpu.memref_slice %arg3[%dma_start3A_617, %dma_start3A_618] : memref<1000448x64xf32, #tpu.memory_space<hbm>> -> memref<1000448x64xf32, #tpu.memory_space<hbm>>
        %dma_start3A_620 = tpu.memref_slice %arg9[%dma_start3A_609] : memref<4x!tpu.dma_semaphore, #tpu.memory_space<semaphore_mem>> -> memref<1x!tpu.dma_semaphore, #tpu.memory_space<semaphore_mem>>
        %dma_start3A_621 = tpu.memref_squeeze %dma_start3A_620 : memref<1x!tpu.dma_semaphore, #tpu.memory_space<semaphore_mem>> -> memref<!tpu.dma_semaphore, #tpu.memory_space<semaphore_mem>>
        tpu.enqueue_indirect_dma source(%dma_start3A_619 : memref<1000448x64xf32, #tpu.memory_space<hbm>>) target(%dma_start3A_613 : memref<128x64xf32, #tpu.memory_space<vmem>>) offsets(%dma_start3A_616 : memref<128xi32, #tpu.memory_space<vmem>>) semaphore(%dma_start3A_621 : memref<!tpu.dma_semaphore, #tpu.memory_space<semaphore_mem>>)
      } else {
      }
      %jit3A_299 = arith.constant 8 : i32
      %div3A_300 = arith.divsi %add3A_293, %jit3A_299 : i32
      %sign3A_301 = arith.constant 0 : i32
      %sign3A_302 = arith.cmpi sgt, %add3A_293, %sign3A_301 : i32
      %sign3A_303 = arith.extui %sign3A_302 : i1 to i32
      %sign3A_304 = arith.constant 0 : i32
      %sign3A_305 = arith.cmpi slt, %add3A_293, %sign3A_304 : i32
      %sign3A_306 = arith.extui %sign3A_305 : i1 to i32
      %sign3A_307 = arith.subi %sign3A_303, %sign3A_306 : i32
      %sign3A_308 = arith.constant 0 : i32
      %sign3A_309 = arith.cmpi sgt, %jit3A_299, %sign3A_308 : i32
      %sign3A_310 = arith.extui %sign3A_309 : i1 to i32
      %sign3A_311 = arith.constant 0 : i32
      %sign3A_312 = arith.cmpi slt, %jit3A_299, %sign3A_311 : i32
      %sign3A_313 = arith.extui %sign3A_312 : i1 to i32
      %sign3A_314 = arith.subi %sign3A_310, %sign3A_313 : i32
      %ne3A_315 = arith.cmpi ne, %sign3A_307, %sign3A_314 : i32
      %rem3A_316 = arith.remsi %add3A_293, %jit3A_299 : i32
      %ne3A_317 = arith.constant 0 : i32
      %ne3A_318 = arith.cmpi ne, %rem3A_316, %ne3A_317 : i32
      %and3A_319 = arith.andi %ne3A_315, %ne3A_318 : i1
      %sub3A_320 = arith.constant 1 : i32
      %sub3A_321 = arith.subi %div3A_300, %sub3A_320 : i32
      %select_n3A_322 = arith.select %and3A_319, %sub3A_321, %div3A_300 : i32
      %jit3A_323 = arith.constant 8 : i32
      %eq3A_324 = arith.constant 0 : i32
      %eq3A_325 = arith.cmpi eq, %jit3A_323, %eq3A_324 : i32
      %jit3A_326 = arith.constant 1 : i32
      %select_n3A_327 = arith.select %eq3A_325, %jit3A_326, %jit3A_323 : i32
      %rem3A_328 = arith.remsi %add3A_293, %select_n3A_327 : i32
      %ne3A_329 = arith.constant 0 : i32
      %ne3A_330 = arith.cmpi ne, %rem3A_328, %ne3A_329 : i32
      %lt3A_331 = arith.constant 0 : i32
      %lt3A_332 = arith.cmpi slt, %rem3A_328, %lt3A_331 : i32
      %lt3A_333 = arith.constant 0 : i32
      %lt3A_334 = arith.cmpi slt, %select_n3A_327, %lt3A_333 : i32
      %ne3A_335 = arith.xori %lt3A_332, %lt3A_334 : i1
      %and3A_336 = arith.andi %ne3A_335, %ne3A_330 : i1
      %add3A_337 = arith.addi %rem3A_328, %select_n3A_327 : i32
      %select_n3A_338 = arith.select %and3A_336, %add3A_337, %rem3A_328 : i32
      %dma_wait3A_339 = arith.constant 1 : i32
      %dma_wait3A_340 = arith.constant 1 : i32
      %dma_wait3A_341 = arith.constant 0 : i32
      %dma_wait3A_342 = arith.constant 0 : i32
      %dma_wait3A_343 = tpu.memref_slice %arg6[%dma_wait3A_339, %dma_wait3A_341, %dma_wait3A_342] : memref<4x128x64xf32, #tpu.memory_space<vmem>> -> memref<1x128x64xf32, #tpu.memory_space<vmem>>
      %dma_wait3A_344 = tpu.memref_squeeze %dma_wait3A_343 : memref<1x128x64xf32, #tpu.memory_space<vmem>> -> memref<128x64xf32, #tpu.memory_space<vmem>>
      %dma_wait3A_345 = arith.constant 0 : i32
      %dma_wait3A_346 = tpu.memref_slice %arg5[%select_n3A_322, %select_n3A_338, %dma_wait3A_345] : memref<25x8x128xi32, #tpu.memory_space<vmem>> -> memref<1x1x128xi32, #tpu.memory_space<vmem>>
      %dma_wait3A_347 = tpu.memref_squeeze %dma_wait3A_346 : memref<1x1x128xi32, #tpu.memory_space<vmem>> -> memref<128xi32, #tpu.memory_space<vmem>>
      %dma_wait3A_348 = arith.constant 0 : i32
      %dma_wait3A_349 = arith.constant 0 : i32
      %dma_wait3A_350 = tpu.memref_slice %arg3[%dma_wait3A_348, %dma_wait3A_349] : memref<1000448x64xf32, #tpu.memory_space<hbm>> -> memref<1000448x64xf32, #tpu.memory_space<hbm>>
      %dma_wait3A_351 = tpu.memref_slice %arg9[%dma_wait3A_340] : memref<4x!tpu.dma_semaphore, #tpu.memory_space<semaphore_mem>> -> memref<1x!tpu.dma_semaphore, #tpu.memory_space<semaphore_mem>>
      %dma_wait3A_352 = tpu.memref_squeeze %dma_wait3A_351 : memref<1x!tpu.dma_semaphore, #tpu.memory_space<semaphore_mem>> -> memref<!tpu.dma_semaphore, #tpu.memory_space<semaphore_mem>>
      tpu.wait_indirect_dma semaphore(%dma_wait3A_352 : memref<!tpu.dma_semaphore, #tpu.memory_space<semaphore_mem>>) src(%dma_wait3A_350 : memref<1000448x64xf32, #tpu.memory_space<hbm>>) dst(%dma_wait3A_344 : memref<128x64xf32, #tpu.memory_space<vmem>>)
      %ge3A_353 = arith.constant 4 : i32
      %ge3A_354 = arith.cmpi sge, %add3A_293, %ge3A_353 : i32
      %convert_element_type3A_355 = arith.extui %ge3A_354 : i1 to i32
      %cond3A_356 = arith.constant 0 : i32
      %cond3A_357 = arith.cmpi ne, %convert_element_type3A_355, %cond3A_356 : i32
      scf.if %cond3A_357 {
        %dma_wait3A_566 = arith.constant 1 : i32
        %dma_wait3A_567 = arith.constant 0 : i32
        %dma_wait3A_568 = arith.constant 1 : i32
        %dma_wait3A_569 = arith.constant 0 : i32
        %dma_wait3A_570 = arith.constant 0 : i32
        %dma_wait3A_571 = arith.constant 0 : i32
        %dma_wait3A_572 = tpu.memref_slice %arg7[%dma_wait3A_566, %dma_wait3A_569, %dma_wait3A_570, %dma_wait3A_571] : memref<4x8x8x129xf32, #tpu.memory_space<vmem>> -> memref<1x8x8x128xf32, #tpu.memory_space<vmem>>
        %dma_wait3A_573 = tpu.memref_squeeze %dma_wait3A_572 : memref<1x8x8x128xf32, #tpu.memory_space<vmem>> -> memref<8x8x128xf32, #tpu.memory_space<vmem>>
        %dma_wait3A_574 = arith.constant 0 : i32
        %dma_wait3A_575 = arith.constant 0 : i32
        %dma_wait3A_576 = arith.constant 0 : i32
        %dma_wait3A_577 = tpu.memref_slice %arg4[%dma_wait3A_567, %dma_wait3A_574, %add3A, %dma_wait3A_575, %dma_wait3A_576] : memref<200x8x32x8x128xf32, #tpu.memory_space<hbm>> -> memref<1x8x1x8x128xf32, #tpu.memory_space<hbm>>
        %dma_wait3A_578 = tpu.memref_squeeze %dma_wait3A_577 : memref<1x8x1x8x128xf32, #tpu.memory_space<hbm>> -> memref<8x8x128xf32, #tpu.memory_space<hbm>>
        %dma_wait3A_579 = tpu.memref_slice %arg10[%dma_wait3A_568] : memref<4x!tpu.dma_semaphore, #tpu.memory_space<semaphore_mem>> -> memref<1x!tpu.dma_semaphore, #tpu.memory_space<semaphore_mem>>
        %dma_wait3A_580 = tpu.memref_squeeze %dma_wait3A_579 : memref<1x!tpu.dma_semaphore, #tpu.memory_space<semaphore_mem>> -> memref<!tpu.dma_semaphore, #tpu.memory_space<semaphore_mem>>
        %dma_wait3A_581 = arith.constant 0 : i32
        %dma_wait3A_582 = arith.constant 0 : i32
        %dma_wait3A_583 = arith.constant 0 : i32
        %dma_wait3A_584 = tpu.memref_slice %arg4[%dma_wait3A_567, %dma_wait3A_581, %add3A, %dma_wait3A_582, %dma_wait3A_583] : memref<200x8x32x8x128xf32, #tpu.memory_space<hbm>> -> memref<1x8x1x8x128xf32, #tpu.memory_space<hbm>>
        %dma_wait3A_585 = tpu.memref_squeeze %dma_wait3A_584 : memref<1x8x1x8x128xf32, #tpu.memory_space<hbm>> -> memref<8x8x128xf32, #tpu.memory_space<hbm>>
        %dma_wait3A_586 = arith.constant 0 : i32
        %dma_wait3A_587 = arith.constant 0 : i32
        %dma_wait3A_588 = arith.constant 0 : i32
        %dma_wait3A_589 = tpu.memref_slice %arg7[%dma_wait3A_566, %dma_wait3A_586, %dma_wait3A_587, %dma_wait3A_588] : memref<4x8x8x129xf32, #tpu.memory_space<vmem>> -> memref<1x8x8x128xf32, #tpu.memory_space<vmem>>
        %dma_wait3A_590 = tpu.memref_squeeze %dma_wait3A_589 : memref<1x8x8x128xf32, #tpu.memory_space<vmem>> -> memref<8x8x128xf32, #tpu.memory_space<vmem>>
        tpu.wait_dma2 semaphore(%dma_wait3A_580 : memref<!tpu.dma_semaphore, #tpu.memory_space<semaphore_mem>>) src(%dma_wait3A_590 : memref<8x8x128xf32, #tpu.memory_space<vmem>>) dst(%dma_wait3A_585 : memref<8x8x128xf32, #tpu.memory_space<hbm>>)
      } else {
      }
      %dma_start3A_358 = arith.constant 1 : i32
      %dma_start3A_359 = arith.constant 1 : i32
      %dma_start3A_360 = arith.constant 0 : i32
      %dma_start3A_361 = arith.constant 0 : i32
      %dma_start3A_362 = arith.constant 0 : i32
      %dma_start3A_363 = tpu.memref_slice %arg7[%dma_start3A_358, %dma_start3A_360, %dma_start3A_361, %dma_start3A_362] : memref<4x8x8x129xf32, #tpu.memory_space<vmem>> -> memref<1x8x8x128xf32, #tpu.memory_space<vmem>>
      %dma_start3A_364 = tpu.memref_squeeze %dma_start3A_363 : memref<1x8x8x128xf32, #tpu.memory_space<vmem>> -> memref<8x8x128xf32, #tpu.memory_space<vmem>>
      %dma_start3A_365 = arith.constant 0 : i32
      %dma_start3A_366 = arith.constant 0 : i32
      %dma_start3A_367 = arith.constant 0 : i32
      %dma_start3A_368 = tpu.memref_slice %arg4[%add3A_293, %dma_start3A_365, %add3A, %dma_start3A_366, %dma_start3A_367] : memref<200x8x32x8x128xf32, #tpu.memory_space<hbm>> -> memref<1x8x1x8x128xf32, #tpu.memory_space<hbm>>
      %dma_start3A_369 = tpu.memref_squeeze %dma_start3A_368 : memref<1x8x1x8x128xf32, #tpu.memory_space<hbm>> -> memref<8x8x128xf32, #tpu.memory_space<hbm>>
      %dma_start3A_370 = tpu.memref_slice %arg10[%dma_start3A_359] : memref<4x!tpu.dma_semaphore, #tpu.memory_space<semaphore_mem>> -> memref<1x!tpu.dma_semaphore, #tpu.memory_space<semaphore_mem>>
      %dma_start3A_371 = tpu.memref_squeeze %dma_start3A_370 : memref<1x!tpu.dma_semaphore, #tpu.memory_space<semaphore_mem>> -> memref<!tpu.dma_semaphore, #tpu.memory_space<semaphore_mem>>
      %dma_start3A_372 = arith.constant 0 : i32
      %dma_start3A_373 = arith.constant 0 : i32
      %dma_start3A_374 = arith.constant 0 : i32
      %dma_start3A_375 = tpu.memref_slice %arg4[%add3A_293, %dma_start3A_372, %add3A, %dma_start3A_373, %dma_start3A_374] : memref<200x8x32x8x128xf32, #tpu.memory_space<hbm>> -> memref<1x8x1x8x128xf32, #tpu.memory_space<hbm>>
      %dma_start3A_376 = tpu.memref_squeeze %dma_start3A_375 : memref<1x8x1x8x128xf32, #tpu.memory_space<hbm>> -> memref<8x8x128xf32, #tpu.memory_space<hbm>>
      %dma_start3A_377 = arith.constant 0 : i32
      %dma_start3A_378 = arith.constant 0 : i32
      %dma_start3A_379 = arith.constant 0 : i32
      %dma_start3A_380 = tpu.memref_slice %arg7[%dma_start3A_358, %dma_start3A_377, %dma_start3A_378, %dma_start3A_379] : memref<4x8x8x129xf32, #tpu.memory_space<vmem>> -> memref<1x8x8x128xf32, #tpu.memory_space<vmem>>
      %dma_start3A_381 = tpu.memref_squeeze %dma_start3A_380 : memref<1x8x8x128xf32, #tpu.memory_space<vmem>> -> memref<8x8x128xf32, #tpu.memory_space<vmem>>
      tpu.enqueue_dma source(%dma_start3A_381 : memref<8x8x128xf32, #tpu.memory_space<vmem>>) target(%dma_start3A_376 : memref<8x8x128xf32, #tpu.memory_space<hbm>>) target_semaphore(%dma_start3A_371 : memref<!tpu.dma_semaphore, #tpu.memory_space<semaphore_mem>>)
      %mul3A_382 = arith.constant 4 : i32
      %mul3A_383 = arith.muli %scan3A_209, %mul3A_382 : i32
      %add3A_384 = arith.constant 2 : i32
      %add3A_385 = arith.addi %mul3A_383, %add3A_384 : i32
      %lt3A_386 = arith.constant 199 : i32
      %lt3A_387 = arith.cmpi slt, %add3A_385, %lt3A_386 : i32
      %convert_element_type3A_388 = arith.extui %lt3A_387 : i1 to i32
      %cond3A_389 = arith.constant 0 : i32
      %cond3A_390 = arith.cmpi ne, %convert_element_type3A_388, %cond3A_389 : i32
      scf.if %cond3A_390 {
        %add3A_566 = arith.constant 1 : i32
        %add3A_567 = arith.addi %add3A_385, %add3A_566 : i32
        %jit3A_568 = arith.constant 8 : i32
        %div3A_569 = arith.divsi %add3A_567, %jit3A_568 : i32
        %sign3A_570 = arith.constant 0 : i32
        %sign3A_571 = arith.cmpi sgt, %add3A_567, %sign3A_570 : i32
        %sign3A_572 = arith.extui %sign3A_571 : i1 to i32
        %sign3A_573 = arith.constant 0 : i32
        %sign3A_574 = arith.cmpi slt, %add3A_567, %sign3A_573 : i32
        %sign3A_575 = arith.extui %sign3A_574 : i1 to i32
        %sign3A_576 = arith.subi %sign3A_572, %sign3A_575 : i32
        %sign3A_577 = arith.constant 0 : i32
        %sign3A_578 = arith.cmpi sgt, %jit3A_568, %sign3A_577 : i32
        %sign3A_579 = arith.extui %sign3A_578 : i1 to i32
        %sign3A_580 = arith.constant 0 : i32
        %sign3A_581 = arith.cmpi slt, %jit3A_568, %sign3A_580 : i32
        %sign3A_582 = arith.extui %sign3A_581 : i1 to i32
        %sign3A_583 = arith.subi %sign3A_579, %sign3A_582 : i32
        %ne3A_584 = arith.cmpi ne, %sign3A_576, %sign3A_583 : i32
        %rem3A_585 = arith.remsi %add3A_567, %jit3A_568 : i32
        %ne3A_586 = arith.constant 0 : i32
        %ne3A_587 = arith.cmpi ne, %rem3A_585, %ne3A_586 : i32
        %and3A_588 = arith.andi %ne3A_584, %ne3A_587 : i1
        %sub3A_589 = arith.constant 1 : i32
        %sub3A_590 = arith.subi %div3A_569, %sub3A_589 : i32
        %select_n3A_591 = arith.select %and3A_588, %sub3A_590, %div3A_569 : i32
        %jit3A_592 = arith.constant 8 : i32
        %eq3A_593 = arith.constant 0 : i32
        %eq3A_594 = arith.cmpi eq, %jit3A_592, %eq3A_593 : i32
        %jit3A_595 = arith.constant 1 : i32
        %select_n3A_596 = arith.select %eq3A_594, %jit3A_595, %jit3A_592 : i32
        %rem3A_597 = arith.remsi %add3A_567, %select_n3A_596 : i32
        %ne3A_598 = arith.constant 0 : i32
        %ne3A_599 = arith.cmpi ne, %rem3A_597, %ne3A_598 : i32
        %lt3A_600 = arith.constant 0 : i32
        %lt3A_601 = arith.cmpi slt, %rem3A_597, %lt3A_600 : i32
        %lt3A_602 = arith.constant 0 : i32
        %lt3A_603 = arith.cmpi slt, %select_n3A_596, %lt3A_602 : i32
        %ne3A_604 = arith.xori %lt3A_601, %lt3A_603 : i1
        %and3A_605 = arith.andi %ne3A_604, %ne3A_599 : i1
        %add3A_606 = arith.addi %rem3A_597, %select_n3A_596 : i32
        %select_n3A_607 = arith.select %and3A_605, %add3A_606, %rem3A_597 : i32
        %dma_start3A_608 = arith.constant 3 : i32
        %dma_start3A_609 = arith.constant 3 : i32
        %dma_start3A_610 = arith.constant 0 : i32
        %dma_start3A_611 = arith.constant 0 : i32
        %dma_start3A_612 = tpu.memref_slice %arg6[%dma_start3A_608, %dma_start3A_610, %dma_start3A_611] : memref<4x128x64xf32, #tpu.memory_space<vmem>> -> memref<1x128x64xf32, #tpu.memory_space<vmem>>
        %dma_start3A_613 = tpu.memref_squeeze %dma_start3A_612 : memref<1x128x64xf32, #tpu.memory_space<vmem>> -> memref<128x64xf32, #tpu.memory_space<vmem>>
        %dma_start3A_614 = arith.constant 0 : i32
        %dma_start3A_615 = tpu.memref_slice %arg5[%select_n3A_591, %select_n3A_607, %dma_start3A_614] : memref<25x8x128xi32, #tpu.memory_space<vmem>> -> memref<1x1x128xi32, #tpu.memory_space<vmem>>
        %dma_start3A_616 = tpu.memref_squeeze %dma_start3A_615 : memref<1x1x128xi32, #tpu.memory_space<vmem>> -> memref<128xi32, #tpu.memory_space<vmem>>
        %dma_start3A_617 = arith.constant 0 : i32
        %dma_start3A_618 = arith.constant 0 : i32
        %dma_start3A_619 = tpu.memref_slice %arg3[%dma_start3A_617, %dma_start3A_618] : memref<1000448x64xf32, #tpu.memory_space<hbm>> -> memref<1000448x64xf32, #tpu.memory_space<hbm>>
        %dma_start3A_620 = tpu.memref_slice %arg9[%dma_start3A_609] : memref<4x!tpu.dma_semaphore, #tpu.memory_space<semaphore_mem>> -> memref<1x!tpu.dma_semaphore, #tpu.memory_space<semaphore_mem>>
        %dma_start3A_621 = tpu.memref_squeeze %dma_start3A_620 : memref<1x!tpu.dma_semaphore, #tpu.memory_space<semaphore_mem>> -> memref<!tpu.dma_semaphore, #tpu.memory_space<semaphore_mem>>
        tpu.enqueue_indirect_dma source(%dma_start3A_619 : memref<1000448x64xf32, #tpu.memory_space<hbm>>) target(%dma_start3A_613 : memref<128x64xf32, #tpu.memory_space<vmem>>) offsets(%dma_start3A_616 : memref<128xi32, #tpu.memory_space<vmem>>) semaphore(%dma_start3A_621 : memref<!tpu.dma_semaphore, #tpu.memory_space<semaphore_mem>>)
      } else {
      }
      %jit3A_391 = arith.constant 8 : i32
      %div3A_392 = arith.divsi %add3A_385, %jit3A_391 : i32
      %sign3A_393 = arith.constant 0 : i32
      %sign3A_394 = arith.cmpi sgt, %add3A_385, %sign3A_393 : i32
      %sign3A_395 = arith.extui %sign3A_394 : i1 to i32
      %sign3A_396 = arith.constant 0 : i32
      %sign3A_397 = arith.cmpi slt, %add3A_385, %sign3A_396 : i32
      %sign3A_398 = arith.extui %sign3A_397 : i1 to i32
      %sign3A_399 = arith.subi %sign3A_395, %sign3A_398 : i32
      %sign3A_400 = arith.constant 0 : i32
      %sign3A_401 = arith.cmpi sgt, %jit3A_391, %sign3A_400 : i32
      %sign3A_402 = arith.extui %sign3A_401 : i1 to i32
      %sign3A_403 = arith.constant 0 : i32
      %sign3A_404 = arith.cmpi slt, %jit3A_391, %sign3A_403 : i32
      %sign3A_405 = arith.extui %sign3A_404 : i1 to i32
      %sign3A_406 = arith.subi %sign3A_402, %sign3A_405 : i32
      %ne3A_407 = arith.cmpi ne, %sign3A_399, %sign3A_406 : i32
      %rem3A_408 = arith.remsi %add3A_385, %jit3A_391 : i32
      %ne3A_409 = arith.constant 0 : i32
      %ne3A_410 = arith.cmpi ne, %rem3A_408, %ne3A_409 : i32
      %and3A_411 = arith.andi %ne3A_407, %ne3A_410 : i1
      %sub3A_412 = arith.constant 1 : i32
      %sub3A_413 = arith.subi %div3A_392, %sub3A_412 : i32
      %select_n3A_414 = arith.select %and3A_411, %sub3A_413, %div3A_392 : i32
      %jit3A_415 = arith.constant 8 : i32
      %eq3A_416 = arith.constant 0 : i32
      %eq3A_417 = arith.cmpi eq, %jit3A_415, %eq3A_416 : i32
      %jit3A_418 = arith.constant 1 : i32
      %select_n3A_419 = arith.select %eq3A_417, %jit3A_418, %jit3A_415 : i32
      %rem3A_420 = arith.remsi %add3A_385, %select_n3A_419 : i32
      %ne3A_421 = arith.constant 0 : i32
      %ne3A_422 = arith.cmpi ne, %rem3A_420, %ne3A_421 : i32
      %lt3A_423 = arith.constant 0 : i32
      %lt3A_424 = arith.cmpi slt, %rem3A_420, %lt3A_423 : i32
      %lt3A_425 = arith.constant 0 : i32
      %lt3A_426 = arith.cmpi slt, %select_n3A_419, %lt3A_425 : i32
      %ne3A_427 = arith.xori %lt3A_424, %lt3A_426 : i1
      %and3A_428 = arith.andi %ne3A_427, %ne3A_422 : i1
      %add3A_429 = arith.addi %rem3A_420, %select_n3A_419 : i32
      %select_n3A_430 = arith.select %and3A_428, %add3A_429, %rem3A_420 : i32
      %dma_wait3A_431 = arith.constant 2 : i32
      %dma_wait3A_432 = arith.constant 2 : i32
      %dma_wait3A_433 = arith.constant 0 : i32
      %dma_wait3A_434 = arith.constant 0 : i32
      %dma_wait3A_435 = tpu.memref_slice %arg6[%dma_wait3A_431, %dma_wait3A_433, %dma_wait3A_434] : memref<4x128x64xf32, #tpu.memory_space<vmem>> -> memref<1x128x64xf32, #tpu.memory_space<vmem>>
      %dma_wait3A_436 = tpu.memref_squeeze %dma_wait3A_435 : memref<1x128x64xf32, #tpu.memory_space<vmem>> -> memref<128x64xf32, #tpu.memory_space<vmem>>
      %dma_wait3A_437 = arith.constant 0 : i32
      %dma_wait3A_438 = tpu.memref_slice %arg5[%select_n3A_414, %select_n3A_430, %dma_wait3A_437] : memref<25x8x128xi32, #tpu.memory_space<vmem>> -> memref<1x1x128xi32, #tpu.memory_space<vmem>>
      %dma_wait3A_439 = tpu.memref_squeeze %dma_wait3A_438 : memref<1x1x128xi32, #tpu.memory_space<vmem>> -> memref<128xi32, #tpu.memory_space<vmem>>
      %dma_wait3A_440 = arith.constant 0 : i32
      %dma_wait3A_441 = arith.constant 0 : i32
      %dma_wait3A_442 = tpu.memref_slice %arg3[%dma_wait3A_440, %dma_wait3A_441] : memref<1000448x64xf32, #tpu.memory_space<hbm>> -> memref<1000448x64xf32, #tpu.memory_space<hbm>>
      %dma_wait3A_443 = tpu.memref_slice %arg9[%dma_wait3A_432] : memref<4x!tpu.dma_semaphore, #tpu.memory_space<semaphore_mem>> -> memref<1x!tpu.dma_semaphore, #tpu.memory_space<semaphore_mem>>
      %dma_wait3A_444 = tpu.memref_squeeze %dma_wait3A_443 : memref<1x!tpu.dma_semaphore, #tpu.memory_space<semaphore_mem>> -> memref<!tpu.dma_semaphore, #tpu.memory_space<semaphore_mem>>
      tpu.wait_indirect_dma semaphore(%dma_wait3A_444 : memref<!tpu.dma_semaphore, #tpu.memory_space<semaphore_mem>>) src(%dma_wait3A_442 : memref<1000448x64xf32, #tpu.memory_space<hbm>>) dst(%dma_wait3A_436 : memref<128x64xf32, #tpu.memory_space<vmem>>)
      %ge3A_445 = arith.constant 4 : i32
      %ge3A_446 = arith.cmpi sge, %add3A_385, %ge3A_445 : i32
      %convert_element_type3A_447 = arith.extui %ge3A_446 : i1 to i32
      %cond3A_448 = arith.constant 0 : i32
      %cond3A_449 = arith.cmpi ne, %convert_element_type3A_447, %cond3A_448 : i32
      scf.if %cond3A_449 {
        %dma_wait3A_566 = arith.constant 2 : i32
        %dma_wait3A_567 = arith.constant 0 : i32
        %dma_wait3A_568 = arith.constant 2 : i32
        %dma_wait3A_569 = arith.constant 0 : i32
        %dma_wait3A_570 = arith.constant 0 : i32
        %dma_wait3A_571 = arith.constant 0 : i32
        %dma_wait3A_572 = tpu.memref_slice %arg7[%dma_wait3A_566, %dma_wait3A_569, %dma_wait3A_570, %dma_wait3A_571] : memref<4x8x8x129xf32, #tpu.memory_space<vmem>> -> memref<1x8x8x128xf32, #tpu.memory_space<vmem>>
        %dma_wait3A_573 = tpu.memref_squeeze %dma_wait3A_572 : memref<1x8x8x128xf32, #tpu.memory_space<vmem>> -> memref<8x8x128xf32, #tpu.memory_space<vmem>>
        %dma_wait3A_574 = arith.constant 0 : i32
        %dma_wait3A_575 = arith.constant 0 : i32
        %dma_wait3A_576 = arith.constant 0 : i32
        %dma_wait3A_577 = tpu.memref_slice %arg4[%dma_wait3A_567, %dma_wait3A_574, %add3A, %dma_wait3A_575, %dma_wait3A_576] : memref<200x8x32x8x128xf32, #tpu.memory_space<hbm>> -> memref<1x8x1x8x128xf32, #tpu.memory_space<hbm>>
        %dma_wait3A_578 = tpu.memref_squeeze %dma_wait3A_577 : memref<1x8x1x8x128xf32, #tpu.memory_space<hbm>> -> memref<8x8x128xf32, #tpu.memory_space<hbm>>
        %dma_wait3A_579 = tpu.memref_slice %arg10[%dma_wait3A_568] : memref<4x!tpu.dma_semaphore, #tpu.memory_space<semaphore_mem>> -> memref<1x!tpu.dma_semaphore, #tpu.memory_space<semaphore_mem>>
        %dma_wait3A_580 = tpu.memref_squeeze %dma_wait3A_579 : memref<1x!tpu.dma_semaphore, #tpu.memory_space<semaphore_mem>> -> memref<!tpu.dma_semaphore, #tpu.memory_space<semaphore_mem>>
        %dma_wait3A_581 = arith.constant 0 : i32
        %dma_wait3A_582 = arith.constant 0 : i32
        %dma_wait3A_583 = arith.constant 0 : i32
        %dma_wait3A_584 = tpu.memref_slice %arg4[%dma_wait3A_567, %dma_wait3A_581, %add3A, %dma_wait3A_582, %dma_wait3A_583] : memref<200x8x32x8x128xf32, #tpu.memory_space<hbm>> -> memref<1x8x1x8x128xf32, #tpu.memory_space<hbm>>
        %dma_wait3A_585 = tpu.memref_squeeze %dma_wait3A_584 : memref<1x8x1x8x128xf32, #tpu.memory_space<hbm>> -> memref<8x8x128xf32, #tpu.memory_space<hbm>>
        %dma_wait3A_586 = arith.constant 0 : i32
        %dma_wait3A_587 = arith.constant 0 : i32
        %dma_wait3A_588 = arith.constant 0 : i32
        %dma_wait3A_589 = tpu.memref_slice %arg7[%dma_wait3A_566, %dma_wait3A_586, %dma_wait3A_587, %dma_wait3A_588] : memref<4x8x8x129xf32, #tpu.memory_space<vmem>> -> memref<1x8x8x128xf32, #tpu.memory_space<vmem>>
        %dma_wait3A_590 = tpu.memref_squeeze %dma_wait3A_589 : memref<1x8x8x128xf32, #tpu.memory_space<vmem>> -> memref<8x8x128xf32, #tpu.memory_space<vmem>>
        tpu.wait_dma2 semaphore(%dma_wait3A_580 : memref<!tpu.dma_semaphore, #tpu.memory_space<semaphore_mem>>) src(%dma_wait3A_590 : memref<8x8x128xf32, #tpu.memory_space<vmem>>) dst(%dma_wait3A_585 : memref<8x8x128xf32, #tpu.memory_space<hbm>>)
      } else {
      }
      %dma_start3A_450 = arith.constant 2 : i32
      %dma_start3A_451 = arith.constant 2 : i32
      %dma_start3A_452 = arith.constant 0 : i32
      %dma_start3A_453 = arith.constant 0 : i32
      %dma_start3A_454 = arith.constant 0 : i32
      %dma_start3A_455 = tpu.memref_slice %arg7[%dma_start3A_450, %dma_start3A_452, %dma_start3A_453, %dma_start3A_454] : memref<4x8x8x129xf32, #tpu.memory_space<vmem>> -> memref<1x8x8x128xf32, #tpu.memory_space<vmem>>
      %dma_start3A_456 = tpu.memref_squeeze %dma_start3A_455 : memref<1x8x8x128xf32, #tpu.memory_space<vmem>> -> memref<8x8x128xf32, #tpu.memory_space<vmem>>
      %dma_start3A_457 = arith.constant 0 : i32
      %dma_start3A_458 = arith.constant 0 : i32
      %dma_start3A_459 = arith.constant 0 : i32
      %dma_start3A_460 = tpu.memref_slice %arg4[%add3A_385, %dma_start3A_457, %add3A, %dma_start3A_458, %dma_start3A_459] : memref<200x8x32x8x128xf32, #tpu.memory_space<hbm>> -> memref<1x8x1x8x128xf32, #tpu.memory_space<hbm>>
      %dma_start3A_461 = tpu.memref_squeeze %dma_start3A_460 : memref<1x8x1x8x128xf32, #tpu.memory_space<hbm>> -> memref<8x8x128xf32, #tpu.memory_space<hbm>>
      %dma_start3A_462 = tpu.memref_slice %arg10[%dma_start3A_451] : memref<4x!tpu.dma_semaphore, #tpu.memory_space<semaphore_mem>> -> memref<1x!tpu.dma_semaphore, #tpu.memory_space<semaphore_mem>>
      %dma_start3A_463 = tpu.memref_squeeze %dma_start3A_462 : memref<1x!tpu.dma_semaphore, #tpu.memory_space<semaphore_mem>> -> memref<!tpu.dma_semaphore, #tpu.memory_space<semaphore_mem>>
      %dma_start3A_464 = arith.constant 0 : i32
      %dma_start3A_465 = arith.constant 0 : i32
      %dma_start3A_466 = arith.constant 0 : i32
      %dma_start3A_467 = tpu.memref_slice %arg4[%add3A_385, %dma_start3A_464, %add3A, %dma_start3A_465, %dma_start3A_466] : memref<200x8x32x8x128xf32, #tpu.memory_space<hbm>> -> memref<1x8x1x8x128xf32, #tpu.memory_space<hbm>>
      %dma_start3A_468 = tpu.memref_squeeze %dma_start3A_467 : memref<1x8x1x8x128xf32, #tpu.memory_space<hbm>> -> memref<8x8x128xf32, #tpu.memory_space<hbm>>
      %dma_start3A_469 = arith.constant 0 : i32
      %dma_start3A_470 = arith.constant 0 : i32
      %dma_start3A_471 = arith.constant 0 : i32
      %dma_start3A_472 = tpu.memref_slice %arg7[%dma_start3A_450, %dma_start3A_469, %dma_start3A_470, %dma_start3A_471] : memref<4x8x8x129xf32, #tpu.memory_space<vmem>> -> memref<1x8x8x128xf32, #tpu.memory_space<vmem>>
      %dma_start3A_473 = tpu.memref_squeeze %dma_start3A_472 : memref<1x8x8x128xf32, #tpu.memory_space<vmem>> -> memref<8x8x128xf32, #tpu.memory_space<vmem>>
      tpu.enqueue_dma source(%dma_start3A_473 : memref<8x8x128xf32, #tpu.memory_space<vmem>>) target(%dma_start3A_468 : memref<8x8x128xf32, #tpu.memory_space<hbm>>) target_semaphore(%dma_start3A_463 : memref<!tpu.dma_semaphore, #tpu.memory_space<semaphore_mem>>)
      %mul3A_474 = arith.constant 4 : i32
      %mul3A_475 = arith.muli %scan3A_209, %mul3A_474 : i32
      %add3A_476 = arith.constant 3 : i32
      %add3A_477 = arith.addi %mul3A_475, %add3A_476 : i32
      %lt3A_478 = arith.constant 199 : i32
      %lt3A_479 = arith.cmpi slt, %add3A_477, %lt3A_478 : i32
      %convert_element_type3A_480 = arith.extui %lt3A_479 : i1 to i32
      %cond3A_481 = arith.constant 0 : i32
      %cond3A_482 = arith.cmpi ne, %convert_element_type3A_480, %cond3A_481 : i32
      scf.if %cond3A_482 {
        %add3A_566 = arith.constant 1 : i32
        %add3A_567 = arith.addi %add3A_477, %add3A_566 : i32
        %jit3A_568 = arith.constant 8 : i32
        %div3A_569 = arith.divsi %add3A_567, %jit3A_568 : i32
        %sign3A_570 = arith.constant 0 : i32
        %sign3A_571 = arith.cmpi sgt, %add3A_567, %sign3A_570 : i32
        %sign3A_572 = arith.extui %sign3A_571 : i1 to i32
        %sign3A_573 = arith.constant 0 : i32
        %sign3A_574 = arith.cmpi slt, %add3A_567, %sign3A_573 : i32
        %sign3A_575 = arith.extui %sign3A_574 : i1 to i32
        %sign3A_576 = arith.subi %sign3A_572, %sign3A_575 : i32
        %sign3A_577 = arith.constant 0 : i32
        %sign3A_578 = arith.cmpi sgt, %jit3A_568, %sign3A_577 : i32
        %sign3A_579 = arith.extui %sign3A_578 : i1 to i32
        %sign3A_580 = arith.constant 0 : i32
        %sign3A_581 = arith.cmpi slt, %jit3A_568, %sign3A_580 : i32
        %sign3A_582 = arith.extui %sign3A_581 : i1 to i32
        %sign3A_583 = arith.subi %sign3A_579, %sign3A_582 : i32
        %ne3A_584 = arith.cmpi ne, %sign3A_576, %sign3A_583 : i32
        %rem3A_585 = arith.remsi %add3A_567, %jit3A_568 : i32
        %ne3A_586 = arith.constant 0 : i32
        %ne3A_587 = arith.cmpi ne, %rem3A_585, %ne3A_586 : i32
        %and3A_588 = arith.andi %ne3A_584, %ne3A_587 : i1
        %sub3A_589 = arith.constant 1 : i32
        %sub3A_590 = arith.subi %div3A_569, %sub3A_589 : i32
        %select_n3A_591 = arith.select %and3A_588, %sub3A_590, %div3A_569 : i32
        %jit3A_592 = arith.constant 8 : i32
        %eq3A_593 = arith.constant 0 : i32
        %eq3A_594 = arith.cmpi eq, %jit3A_592, %eq3A_593 : i32
        %jit3A_595 = arith.constant 1 : i32
        %select_n3A_596 = arith.select %eq3A_594, %jit3A_595, %jit3A_592 : i32
        %rem3A_597 = arith.remsi %add3A_567, %select_n3A_596 : i32
        %ne3A_598 = arith.constant 0 : i32
        %ne3A_599 = arith.cmpi ne, %rem3A_597, %ne3A_598 : i32
        %lt3A_600 = arith.constant 0 : i32
        %lt3A_601 = arith.cmpi slt, %rem3A_597, %lt3A_600 : i32
        %lt3A_602 = arith.constant 0 : i32
        %lt3A_603 = arith.cmpi slt, %select_n3A_596, %lt3A_602 : i32
        %ne3A_604 = arith.xori %lt3A_601, %lt3A_603 : i1
        %and3A_605 = arith.andi %ne3A_604, %ne3A_599 : i1
        %add3A_606 = arith.addi %rem3A_597, %select_n3A_596 : i32
        %select_n3A_607 = arith.select %and3A_605, %add3A_606, %rem3A_597 : i32
        %dma_start3A_608 = arith.constant 0 : i32
        %dma_start3A_609 = arith.constant 0 : i32
        %dma_start3A_610 = arith.constant 0 : i32
        %dma_start3A_611 = arith.constant 0 : i32
        %dma_start3A_612 = tpu.memref_slice %arg6[%dma_start3A_608, %dma_start3A_610, %dma_start3A_611] : memref<4x128x64xf32, #tpu.memory_space<vmem>> -> memref<1x128x64xf32, #tpu.memory_space<vmem>>
        %dma_start3A_613 = tpu.memref_squeeze %dma_start3A_612 : memref<1x128x64xf32, #tpu.memory_space<vmem>> -> memref<128x64xf32, #tpu.memory_space<vmem>>
        %dma_start3A_614 = arith.constant 0 : i32
        %dma_start3A_615 = tpu.memref_slice %arg5[%select_n3A_591, %select_n3A_607, %dma_start3A_614] : memref<25x8x128xi32, #tpu.memory_space<vmem>> -> memref<1x1x128xi32, #tpu.memory_space<vmem>>
        %dma_start3A_616 = tpu.memref_squeeze %dma_start3A_615 : memref<1x1x128xi32, #tpu.memory_space<vmem>> -> memref<128xi32, #tpu.memory_space<vmem>>
        %dma_start3A_617 = arith.constant 0 : i32
        %dma_start3A_618 = arith.constant 0 : i32
        %dma_start3A_619 = tpu.memref_slice %arg3[%dma_start3A_617, %dma_start3A_618] : memref<1000448x64xf32, #tpu.memory_space<hbm>> -> memref<1000448x64xf32, #tpu.memory_space<hbm>>
        %dma_start3A_620 = tpu.memref_slice %arg9[%dma_start3A_609] : memref<4x!tpu.dma_semaphore, #tpu.memory_space<semaphore_mem>> -> memref<1x!tpu.dma_semaphore, #tpu.memory_space<semaphore_mem>>
        %dma_start3A_621 = tpu.memref_squeeze %dma_start3A_620 : memref<1x!tpu.dma_semaphore, #tpu.memory_space<semaphore_mem>> -> memref<!tpu.dma_semaphore, #tpu.memory_space<semaphore_mem>>
        tpu.enqueue_indirect_dma source(%dma_start3A_619 : memref<1000448x64xf32, #tpu.memory_space<hbm>>) target(%dma_start3A_613 : memref<128x64xf32, #tpu.memory_space<vmem>>) offsets(%dma_start3A_616 : memref<128xi32, #tpu.memory_space<vmem>>) semaphore(%dma_start3A_621 : memref<!tpu.dma_semaphore, #tpu.memory_space<semaphore_mem>>)
      } else {
      }
      %jit3A_483 = arith.constant 8 : i32
      %div3A_484 = arith.divsi %add3A_477, %jit3A_483 : i32
      %sign3A_485 = arith.constant 0 : i32
      %sign3A_486 = arith.cmpi sgt, %add3A_477, %sign3A_485 : i32
      %sign3A_487 = arith.extui %sign3A_486 : i1 to i32
      %sign3A_488 = arith.constant 0 : i32
      %sign3A_489 = arith.cmpi slt, %add3A_477, %sign3A_488 : i32
      %sign3A_490 = arith.extui %sign3A_489 : i1 to i32
      %sign3A_491 = arith.subi %sign3A_487, %sign3A_490 : i32
      %sign3A_492 = arith.constant 0 : i32
      %sign3A_493 = arith.cmpi sgt, %jit3A_483, %sign3A_492 : i32
      %sign3A_494 = arith.extui %sign3A_493 : i1 to i32
      %sign3A_495 = arith.constant 0 : i32
      %sign3A_496 = arith.cmpi slt, %jit3A_483, %sign3A_495 : i32
      %sign3A_497 = arith.extui %sign3A_496 : i1 to i32
      %sign3A_498 = arith.subi %sign3A_494, %sign3A_497 : i32
      %ne3A_499 = arith.cmpi ne, %sign3A_491, %sign3A_498 : i32
      %rem3A_500 = arith.remsi %add3A_477, %jit3A_483 : i32
      %ne3A_501 = arith.constant 0 : i32
      %ne3A_502 = arith.cmpi ne, %rem3A_500, %ne3A_501 : i32
      %and3A_503 = arith.andi %ne3A_499, %ne3A_502 : i1
      %sub3A_504 = arith.constant 1 : i32
      %sub3A_505 = arith.subi %div3A_484, %sub3A_504 : i32
      %select_n3A_506 = arith.select %and3A_503, %sub3A_505, %div3A_484 : i32
      %jit3A_507 = arith.constant 8 : i32
      %eq3A_508 = arith.constant 0 : i32
      %eq3A_509 = arith.cmpi eq, %jit3A_507, %eq3A_508 : i32
      %jit3A_510 = arith.constant 1 : i32
      %select_n3A_511 = arith.select %eq3A_509, %jit3A_510, %jit3A_507 : i32
      %rem3A_512 = arith.remsi %add3A_477, %select_n3A_511 : i32
      %ne3A_513 = arith.constant 0 : i32
      %ne3A_514 = arith.cmpi ne, %rem3A_512, %ne3A_513 : i32
      %lt3A_515 = arith.constant 0 : i32
      %lt3A_516 = arith.cmpi slt, %rem3A_512, %lt3A_515 : i32
      %lt3A_517 = arith.constant 0 : i32
      %lt3A_518 = arith.cmpi slt, %select_n3A_511, %lt3A_517 : i32
      %ne3A_519 = arith.xori %lt3A_516, %lt3A_518 : i1
      %and3A_520 = arith.andi %ne3A_519, %ne3A_514 : i1
      %add3A_521 = arith.addi %rem3A_512, %select_n3A_511 : i32
      %select_n3A_522 = arith.select %and3A_520, %add3A_521, %rem3A_512 : i32
      %dma_wait3A_523 = arith.constant 3 : i32
      %dma_wait3A_524 = arith.constant 3 : i32
      %dma_wait3A_525 = arith.constant 0 : i32
      %dma_wait3A_526 = arith.constant 0 : i32
      %dma_wait3A_527 = tpu.memref_slice %arg6[%dma_wait3A_523, %dma_wait3A_525, %dma_wait3A_526] : memref<4x128x64xf32, #tpu.memory_space<vmem>> -> memref<1x128x64xf32, #tpu.memory_space<vmem>>
      %dma_wait3A_528 = tpu.memref_squeeze %dma_wait3A_527 : memref<1x128x64xf32, #tpu.memory_space<vmem>> -> memref<128x64xf32, #tpu.memory_space<vmem>>
      %dma_wait3A_529 = arith.constant 0 : i32
      %dma_wait3A_530 = tpu.memref_slice %arg5[%select_n3A_506, %select_n3A_522, %dma_wait3A_529] : memref<25x8x128xi32, #tpu.memory_space<vmem>> -> memref<1x1x128xi32, #tpu.memory_space<vmem>>
      %dma_wait3A_531 = tpu.memref_squeeze %dma_wait3A_530 : memref<1x1x128xi32, #tpu.memory_space<vmem>> -> memref<128xi32, #tpu.memory_space<vmem>>
      %dma_wait3A_532 = arith.constant 0 : i32
      %dma_wait3A_533 = arith.constant 0 : i32
      %dma_wait3A_534 = tpu.memref_slice %arg3[%dma_wait3A_532, %dma_wait3A_533] : memref<1000448x64xf32, #tpu.memory_space<hbm>> -> memref<1000448x64xf32, #tpu.memory_space<hbm>>
      %dma_wait3A_535 = tpu.memref_slice %arg9[%dma_wait3A_524] : memref<4x!tpu.dma_semaphore, #tpu.memory_space<semaphore_mem>> -> memref<1x!tpu.dma_semaphore, #tpu.memory_space<semaphore_mem>>
      %dma_wait3A_536 = tpu.memref_squeeze %dma_wait3A_535 : memref<1x!tpu.dma_semaphore, #tpu.memory_space<semaphore_mem>> -> memref<!tpu.dma_semaphore, #tpu.memory_space<semaphore_mem>>
      tpu.wait_indirect_dma semaphore(%dma_wait3A_536 : memref<!tpu.dma_semaphore, #tpu.memory_space<semaphore_mem>>) src(%dma_wait3A_534 : memref<1000448x64xf32, #tpu.memory_space<hbm>>) dst(%dma_wait3A_528 : memref<128x64xf32, #tpu.memory_space<vmem>>)
      %ge3A_537 = arith.constant 4 : i32
      %ge3A_538 = arith.cmpi sge, %add3A_477, %ge3A_537 : i32
      %convert_element_type3A_539 = arith.extui %ge3A_538 : i1 to i32
      %cond3A_540 = arith.constant 0 : i32
      %cond3A_541 = arith.cmpi ne, %convert_element_type3A_539, %cond3A_540 : i32
      scf.if %cond3A_541 {
        %dma_wait3A_566 = arith.constant 3 : i32
        %dma_wait3A_567 = arith.constant 0 : i32
        %dma_wait3A_568 = arith.constant 3 : i32
        %dma_wait3A_569 = arith.constant 0 : i32
        %dma_wait3A_570 = arith.constant 0 : i32
        %dma_wait3A_571 = arith.constant 0 : i32
        %dma_wait3A_572 = tpu.memref_slice %arg7[%dma_wait3A_566, %dma_wait3A_569, %dma_wait3A_570, %dma_wait3A_571] : memref<4x8x8x129xf32, #tpu.memory_space<vmem>> -> memref<1x8x8x128xf32, #tpu.memory_space<vmem>>
        %dma_wait3A_573 = tpu.memref_squeeze %dma_wait3A_572 : memref<1x8x8x128xf32, #tpu.memory_space<vmem>> -> memref<8x8x128xf32, #tpu.memory_space<vmem>>
        %dma_wait3A_574 = arith.constant 0 : i32
        %dma_wait3A_575 = arith.constant 0 : i32
        %dma_wait3A_576 = arith.constant 0 : i32
        %dma_wait3A_577 = tpu.memref_slice %arg4[%dma_wait3A_567, %dma_wait3A_574, %add3A, %dma_wait3A_575, %dma_wait3A_576] : memref<200x8x32x8x128xf32, #tpu.memory_space<hbm>> -> memref<1x8x1x8x128xf32, #tpu.memory_space<hbm>>
        %dma_wait3A_578 = tpu.memref_squeeze %dma_wait3A_577 : memref<1x8x1x8x128xf32, #tpu.memory_space<hbm>> -> memref<8x8x128xf32, #tpu.memory_space<hbm>>
        %dma_wait3A_579 = tpu.memref_slice %arg10[%dma_wait3A_568] : memref<4x!tpu.dma_semaphore, #tpu.memory_space<semaphore_mem>> -> memref<1x!tpu.dma_semaphore, #tpu.memory_space<semaphore_mem>>
        %dma_wait3A_580 = tpu.memref_squeeze %dma_wait3A_579 : memref<1x!tpu.dma_semaphore, #tpu.memory_space<semaphore_mem>> -> memref<!tpu.dma_semaphore, #tpu.memory_space<semaphore_mem>>
        %dma_wait3A_581 = arith.constant 0 : i32
        %dma_wait3A_582 = arith.constant 0 : i32
        %dma_wait3A_583 = arith.constant 0 : i32
        %dma_wait3A_584 = tpu.memref_slice %arg4[%dma_wait3A_567, %dma_wait3A_581, %add3A, %dma_wait3A_582, %dma_wait3A_583] : memref<200x8x32x8x128xf32, #tpu.memory_space<hbm>> -> memref<1x8x1x8x128xf32, #tpu.memory_space<hbm>>
        %dma_wait3A_585 = tpu.memref_squeeze %dma_wait3A_584 : memref<1x8x1x8x128xf32, #tpu.memory_space<hbm>> -> memref<8x8x128xf32, #tpu.memory_space<hbm>>
        %dma_wait3A_586 = arith.constant 0 : i32
        %dma_wait3A_587 = arith.constant 0 : i32
        %dma_wait3A_588 = arith.constant 0 : i32
        %dma_wait3A_589 = tpu.memref_slice %arg7[%dma_wait3A_566, %dma_wait3A_586, %dma_wait3A_587, %dma_wait3A_588] : memref<4x8x8x129xf32, #tpu.memory_space<vmem>> -> memref<1x8x8x128xf32, #tpu.memory_space<vmem>>
        %dma_wait3A_590 = tpu.memref_squeeze %dma_wait3A_589 : memref<1x8x8x128xf32, #tpu.memory_space<vmem>> -> memref<8x8x128xf32, #tpu.memory_space<vmem>>
        tpu.wait_dma2 semaphore(%dma_wait3A_580 : memref<!tpu.dma_semaphore, #tpu.memory_space<semaphore_mem>>) src(%dma_wait3A_590 : memref<8x8x128xf32, #tpu.memory_space<vmem>>) dst(%dma_wait3A_585 : memref<8x8x128xf32, #tpu.memory_space<hbm>>)
      } else {
      }
      %dma_start3A_542 = arith.constant 3 : i32
      %dma_start3A_543 = arith.constant 3 : i32
      %dma_start3A_544 = arith.constant 0 : i32
      %dma_start3A_545 = arith.constant 0 : i32
      %dma_start3A_546 = arith.constant 0 : i32
      %dma_start3A_547 = tpu.memref_slice %arg7[%dma_start3A_542, %dma_start3A_544, %dma_start3A_545, %dma_start3A_546] : memref<4x8x8x129xf32, #tpu.memory_space<vmem>> -> memref<1x8x8x128xf32, #tpu.memory_space<vmem>>
      %dma_start3A_548 = tpu.memref_squeeze %dma_start3A_547 : memref<1x8x8x128xf32, #tpu.memory_space<vmem>> -> memref<8x8x128xf32, #tpu.memory_space<vmem>>
      %dma_start3A_549 = arith.constant 0 : i32
      %dma_start3A_550 = arith.constant 0 : i32
      %dma_start3A_551 = arith.constant 0 : i32
      %dma_start3A_552 = tpu.memref_slice %arg4[%add3A_477, %dma_start3A_549, %add3A, %dma_start3A_550, %dma_start3A_551] : memref<200x8x32x8x128xf32, #tpu.memory_space<hbm>> -> memref<1x8x1x8x128xf32, #tpu.memory_space<hbm>>
      %dma_start3A_553 = tpu.memref_squeeze %dma_start3A_552 : memref<1x8x1x8x128xf32, #tpu.memory_space<hbm>> -> memref<8x8x128xf32, #tpu.memory_space<hbm>>
      %dma_start3A_554 = tpu.memref_slice %arg10[%dma_start3A_543] : memref<4x!tpu.dma_semaphore, #tpu.memory_space<semaphore_mem>> -> memref<1x!tpu.dma_semaphore, #tpu.memory_space<semaphore_mem>>
      %dma_start3A_555 = tpu.memref_squeeze %dma_start3A_554 : memref<1x!tpu.dma_semaphore, #tpu.memory_space<semaphore_mem>> -> memref<!tpu.dma_semaphore, #tpu.memory_space<semaphore_mem>>
      %dma_start3A_556 = arith.constant 0 : i32
      %dma_start3A_557 = arith.constant 0 : i32
      %dma_start3A_558 = arith.constant 0 : i32
      %dma_start3A_559 = tpu.memref_slice %arg4[%add3A_477, %dma_start3A_556, %add3A, %dma_start3A_557, %dma_start3A_558] : memref<200x8x32x8x128xf32, #tpu.memory_space<hbm>> -> memref<1x8x1x8x128xf32, #tpu.memory_space<hbm>>
      %dma_start3A_560 = tpu.memref_squeeze %dma_start3A_559 : memref<1x8x1x8x128xf32, #tpu.memory_space<hbm>> -> memref<8x8x128xf32, #tpu.memory_space<hbm>>
      %dma_start3A_561 = arith.constant 0 : i32
      %dma_start3A_562 = arith.constant 0 : i32
      %dma_start3A_563 = arith.constant 0 : i32
      %dma_start3A_564 = tpu.memref_slice %arg7[%dma_start3A_542, %dma_start3A_561, %dma_start3A_562, %dma_start3A_563] : memref<4x8x8x129xf32, #tpu.memory_space<vmem>> -> memref<1x8x8x128xf32, #tpu.memory_space<vmem>>
      %dma_start3A_565 = tpu.memref_squeeze %dma_start3A_564 : memref<1x8x8x128xf32, #tpu.memory_space<vmem>> -> memref<8x8x128xf32, #tpu.memory_space<vmem>>
      tpu.enqueue_dma source(%dma_start3A_565 : memref<8x8x128xf32, #tpu.memory_space<vmem>>) target(%dma_start3A_560 : memref<8x8x128xf32, #tpu.memory_space<hbm>>) target_semaphore(%dma_start3A_555 : memref<!tpu.dma_semaphore, #tpu.memory_space<semaphore_mem>>)
    }
    %scan3A_108 = arith.constant 50 : i32
    %dma_wait3A_109 = arith.constant 0 : i32
    %dma_wait3A_110 = arith.constant 0 : i32
    %dma_wait3A_111 = arith.constant 0 : i32
    %dma_wait3A_112 = arith.constant 0 : i32
    %dma_wait3A_113 = arith.constant 0 : i32
    %dma_wait3A_114 = arith.constant 0 : i32
    %dma_wait3A_115 = tpu.memref_slice %arg7[%dma_wait3A_109, %dma_wait3A_112, %dma_wait3A_113, %dma_wait3A_114] : memref<4x8x8x129xf32, #tpu.memory_space<vmem>> -> memref<1x8x8x128xf32, #tpu.memory_space<vmem>>
    %dma_wait3A_116 = tpu.memref_squeeze %dma_wait3A_115 : memref<1x8x8x128xf32, #tpu.memory_space<vmem>> -> memref<8x8x128xf32, #tpu.memory_space<vmem>>
    %dma_wait3A_117 = arith.constant 0 : i32
    %dma_wait3A_118 = arith.constant 0 : i32
    %dma_wait3A_119 = arith.constant 0 : i32
    %dma_wait3A_120 = tpu.memref_slice %arg4[%dma_wait3A_110, %dma_wait3A_117, %add3A, %dma_wait3A_118, %dma_wait3A_119] : memref<200x8x32x8x128xf32, #tpu.memory_space<hbm>> -> memref<1x8x1x8x128xf32, #tpu.memory_space<hbm>>
    %dma_wait3A_121 = tpu.memref_squeeze %dma_wait3A_120 : memref<1x8x1x8x128xf32, #tpu.memory_space<hbm>> -> memref<8x8x128xf32, #tpu.memory_space<hbm>>
    %dma_wait3A_122 = tpu.memref_slice %arg10[%dma_wait3A_111] : memref<4x!tpu.dma_semaphore, #tpu.memory_space<semaphore_mem>> -> memref<1x!tpu.dma_semaphore, #tpu.memory_space<semaphore_mem>>
    %dma_wait3A_123 = tpu.memref_squeeze %dma_wait3A_122 : memref<1x!tpu.dma_semaphore, #tpu.memory_space<semaphore_mem>> -> memref<!tpu.dma_semaphore, #tpu.memory_space<semaphore_mem>>
    %dma_wait3A_124 = arith.constant 0 : i32
    %dma_wait3A_125 = arith.constant 0 : i32
    %dma_wait3A_126 = arith.constant 0 : i32
    %dma_wait3A_127 = tpu.memref_slice %arg4[%dma_wait3A_110, %dma_wait3A_124, %add3A, %dma_wait3A_125, %dma_wait3A_126] : memref<200x8x32x8x128xf32, #tpu.memory_space<hbm>> -> memref<1x8x1x8x128xf32, #tpu.memory_space<hbm>>
    %dma_wait3A_128 = tpu.memref_squeeze %dma_wait3A_127 : memref<1x8x1x8x128xf32, #tpu.memory_space<hbm>> -> memref<8x8x128xf32, #tpu.memory_space<hbm>>
    %dma_wait3A_129 = arith.constant 0 : i32
    %dma_wait3A_130 = arith.constant 0 : i32
    %dma_wait3A_131 = arith.constant 0 : i32
    %dma_wait3A_132 = tpu.memref_slice %arg7[%dma_wait3A_109, %dma_wait3A_129, %dma_wait3A_130, %dma_wait3A_131] : memref<4x8x8x129xf32, #tpu.memory_space<vmem>> -> memref<1x8x8x128xf32, #tpu.memory_space<vmem>>
    %dma_wait3A_133 = tpu.memref_squeeze %dma_wait3A_132 : memref<1x8x8x128xf32, #tpu.memory_space<vmem>> -> memref<8x8x128xf32, #tpu.memory_space<vmem>>
    tpu.wait_dma2 semaphore(%dma_wait3A_123 : memref<!tpu.dma_semaphore, #tpu.memory_space<semaphore_mem>>) src(%dma_wait3A_133 : memref<8x8x128xf32, #tpu.memory_space<vmem>>) dst(%dma_wait3A_128 : memref<8x8x128xf32, #tpu.memory_space<hbm>>)
    %dma_wait3A_134 = arith.constant 1 : i32
    %dma_wait3A_135 = arith.constant 0 : i32
    %dma_wait3A_136 = arith.constant 1 : i32
    %dma_wait3A_137 = arith.constant 0 : i32
    %dma_wait3A_138 = arith.constant 0 : i32
    %dma_wait3A_139 = arith.constant 0 : i32
    %dma_wait3A_140 = tpu.memref_slice %arg7[%dma_wait3A_134, %dma_wait3A_137, %dma_wait3A_138, %dma_wait3A_139] : memref<4x8x8x129xf32, #tpu.memory_space<vmem>> -> memref<1x8x8x128xf32, #tpu.memory_space<vmem>>
    %dma_wait3A_141 = tpu.memref_squeeze %dma_wait3A_140 : memref<1x8x8x128xf32, #tpu.memory_space<vmem>> -> memref<8x8x128xf32, #tpu.memory_space<vmem>>
    %dma_wait3A_142 = arith.constant 0 : i32
    %dma_wait3A_143 = arith.constant 0 : i32
    %dma_wait3A_144 = arith.constant 0 : i32
    %dma_wait3A_145 = tpu.memref_slice %arg4[%dma_wait3A_135, %dma_wait3A_142, %add3A, %dma_wait3A_143, %dma_wait3A_144] : memref<200x8x32x8x128xf32, #tpu.memory_space<hbm>> -> memref<1x8x1x8x128xf32, #tpu.memory_space<hbm>>
    %dma_wait3A_146 = tpu.memref_squeeze %dma_wait3A_145 : memref<1x8x1x8x128xf32, #tpu.memory_space<hbm>> -> memref<8x8x128xf32, #tpu.memory_space<hbm>>
    %dma_wait3A_147 = tpu.memref_slice %arg10[%dma_wait3A_136] : memref<4x!tpu.dma_semaphore, #tpu.memory_space<semaphore_mem>> -> memref<1x!tpu.dma_semaphore, #tpu.memory_space<semaphore_mem>>
    %dma_wait3A_148 = tpu.memref_squeeze %dma_wait3A_147 : memref<1x!tpu.dma_semaphore, #tpu.memory_space<semaphore_mem>> -> memref<!tpu.dma_semaphore, #tpu.memory_space<semaphore_mem>>
    %dma_wait3A_149 = arith.constant 0 : i32
    %dma_wait3A_150 = arith.constant 0 : i32
    %dma_wait3A_151 = arith.constant 0 : i32
    %dma_wait3A_152 = tpu.memref_slice %arg4[%dma_wait3A_135, %dma_wait3A_149, %add3A, %dma_wait3A_150, %dma_wait3A_151] : memref<200x8x32x8x128xf32, #tpu.memory_space<hbm>> -> memref<1x8x1x8x128xf32, #tpu.memory_space<hbm>>
    %dma_wait3A_153 = tpu.memref_squeeze %dma_wait3A_152 : memref<1x8x1x8x128xf32, #tpu.memory_space<hbm>> -> memref<8x8x128xf32, #tpu.memory_space<hbm>>
    %dma_wait3A_154 = arith.constant 0 : i32
    %dma_wait3A_155 = arith.constant 0 : i32
    %dma_wait3A_156 = arith.constant 0 : i32
    %dma_wait3A_157 = tpu.memref_slice %arg7[%dma_wait3A_134, %dma_wait3A_154, %dma_wait3A_155, %dma_wait3A_156] : memref<4x8x8x129xf32, #tpu.memory_space<vmem>> -> memref<1x8x8x128xf32, #tpu.memory_space<vmem>>
    %dma_wait3A_158 = tpu.memref_squeeze %dma_wait3A_157 : memref<1x8x8x128xf32, #tpu.memory_space<vmem>> -> memref<8x8x128xf32, #tpu.memory_space<vmem>>
    tpu.wait_dma2 semaphore(%dma_wait3A_148 : memref<!tpu.dma_semaphore, #tpu.memory_space<semaphore_mem>>) src(%dma_wait3A_158 : memref<8x8x128xf32, #tpu.memory_space<vmem>>) dst(%dma_wait3A_153 : memref<8x8x128xf32, #tpu.memory_space<hbm>>)
    %dma_wait3A_159 = arith.constant 2 : i32
    %dma_wait3A_160 = arith.constant 0 : i32
    %dma_wait3A_161 = arith.constant 2 : i32
    %dma_wait3A_162 = arith.constant 0 : i32
    %dma_wait3A_163 = arith.constant 0 : i32
    %dma_wait3A_164 = arith.constant 0 : i32
    %dma_wait3A_165 = tpu.memref_slice %arg7[%dma_wait3A_159, %dma_wait3A_162, %dma_wait3A_163, %dma_wait3A_164] : memref<4x8x8x129xf32, #tpu.memory_space<vmem>> -> memref<1x8x8x128xf32, #tpu.memory_space<vmem>>
    %dma_wait3A_166 = tpu.memref_squeeze %dma_wait3A_165 : memref<1x8x8x128xf32, #tpu.memory_space<vmem>> -> memref<8x8x128xf32, #tpu.memory_space<vmem>>
    %dma_wait3A_167 = arith.constant 0 : i32
    %dma_wait3A_168 = arith.constant 0 : i32
    %dma_wait3A_169 = arith.constant 0 : i32
    %dma_wait3A_170 = tpu.memref_slice %arg4[%dma_wait3A_160, %dma_wait3A_167, %add3A, %dma_wait3A_168, %dma_wait3A_169] : memref<200x8x32x8x128xf32, #tpu.memory_space<hbm>> -> memref<1x8x1x8x128xf32, #tpu.memory_space<hbm>>
    %dma_wait3A_171 = tpu.memref_squeeze %dma_wait3A_170 : memref<1x8x1x8x128xf32, #tpu.memory_space<hbm>> -> memref<8x8x128xf32, #tpu.memory_space<hbm>>
    %dma_wait3A_172 = tpu.memref_slice %arg10[%dma_wait3A_161] : memref<4x!tpu.dma_semaphore, #tpu.memory_space<semaphore_mem>> -> memref<1x!tpu.dma_semaphore, #tpu.memory_space<semaphore_mem>>
    %dma_wait3A_173 = tpu.memref_squeeze %dma_wait3A_172 : memref<1x!tpu.dma_semaphore, #tpu.memory_space<semaphore_mem>> -> memref<!tpu.dma_semaphore, #tpu.memory_space<semaphore_mem>>
    %dma_wait3A_174 = arith.constant 0 : i32
    %dma_wait3A_175 = arith.constant 0 : i32
    %dma_wait3A_176 = arith.constant 0 : i32
    %dma_wait3A_177 = tpu.memref_slice %arg4[%dma_wait3A_160, %dma_wait3A_174, %add3A, %dma_wait3A_175, %dma_wait3A_176] : memref<200x8x32x8x128xf32, #tpu.memory_space<hbm>> -> memref<1x8x1x8x128xf32, #tpu.memory_space<hbm>>
    %dma_wait3A_178 = tpu.memref_squeeze %dma_wait3A_177 : memref<1x8x1x8x128xf32, #tpu.memory_space<hbm>> -> memref<8x8x128xf32, #tpu.memory_space<hbm>>
    %dma_wait3A_179 = arith.constant 0 : i32
    %dma_wait3A_180 = arith.constant 0 : i32
    %dma_wait3A_181 = arith.constant 0 : i32
    %dma_wait3A_182 = tpu.memref_slice %arg7[%dma_wait3A_159, %dma_wait3A_179, %dma_wait3A_180, %dma_wait3A_181] : memref<4x8x8x129xf32, #tpu.memory_space<vmem>> -> memref<1x8x8x128xf32, #tpu.memory_space<vmem>>
    %dma_wait3A_183 = tpu.memref_squeeze %dma_wait3A_182 : memref<1x8x8x128xf32, #tpu.memory_space<vmem>> -> memref<8x8x128xf32, #tpu.memory_space<vmem>>
    tpu.wait_dma2 semaphore(%dma_wait3A_173 : memref<!tpu.dma_semaphore, #tpu.memory_space<semaphore_mem>>) src(%dma_wait3A_183 : memref<8x8x128xf32, #tpu.memory_space<vmem>>) dst(%dma_wait3A_178 : memref<8x8x128xf32, #tpu.memory_space<hbm>>)
    %dma_wait3A_184 = arith.constant 3 : i32
    %dma_wait3A_185 = arith.constant 0 : i32
    %dma_wait3A_186 = arith.constant 3 : i32
    %dma_wait3A_187 = arith.constant 0 : i32
    %dma_wait3A_188 = arith.constant 0 : i32
    %dma_wait3A_189 = arith.constant 0 : i32
    %dma_wait3A_190 = tpu.memref_slice %arg7[%dma_wait3A_184, %dma_wait3A_187, %dma_wait3A_188, %dma_wait3A_189] : memref<4x8x8x129xf32, #tpu.memory_space<vmem>> -> memref<1x8x8x128xf32, #tpu.memory_space<vmem>>
    %dma_wait3A_191 = tpu.memref_squeeze %dma_wait3A_190 : memref<1x8x8x128xf32, #tpu.memory_space<vmem>> -> memref<8x8x128xf32, #tpu.memory_space<vmem>>
    %dma_wait3A_192 = arith.constant 0 : i32
    %dma_wait3A_193 = arith.constant 0 : i32
    %dma_wait3A_194 = arith.constant 0 : i32
    %dma_wait3A_195 = tpu.memref_slice %arg4[%dma_wait3A_185, %dma_wait3A_192, %add3A, %dma_wait3A_193, %dma_wait3A_194] : memref<200x8x32x8x128xf32, #tpu.memory_space<hbm>> -> memref<1x8x1x8x128xf32, #tpu.memory_space<hbm>>
    %dma_wait3A_196 = tpu.memref_squeeze %dma_wait3A_195 : memref<1x8x1x8x128xf32, #tpu.memory_space<hbm>> -> memref<8x8x128xf32, #tpu.memory_space<hbm>>
    %dma_wait3A_197 = tpu.memref_slice %arg10[%dma_wait3A_186] : memref<4x!tpu.dma_semaphore, #tpu.memory_space<semaphore_mem>> -> memref<1x!tpu.dma_semaphore, #tpu.memory_space<semaphore_mem>>
    %dma_wait3A_198 = tpu.memref_squeeze %dma_wait3A_197 : memref<1x!tpu.dma_semaphore, #tpu.memory_space<semaphore_mem>> -> memref<!tpu.dma_semaphore, #tpu.memory_space<semaphore_mem>>
    %dma_wait3A_199 = arith.constant 0 : i32
    %dma_wait3A_200 = arith.constant 0 : i32
    %dma_wait3A_201 = arith.constant 0 : i32
    %dma_wait3A_202 = tpu.memref_slice %arg4[%dma_wait3A_185, %dma_wait3A_199, %add3A, %dma_wait3A_200, %dma_wait3A_201] : memref<200x8x32x8x128xf32, #tpu.memory_space<hbm>> -> memref<1x8x1x8x128xf32, #tpu.memory_space<hbm>>
    %dma_wait3A_203 = tpu.memref_squeeze %dma_wait3A_202 : memref<1x8x1x8x128xf32, #tpu.memory_space<hbm>> -> memref<8x8x128xf32, #tpu.memory_space<hbm>>
    %dma_wait3A_204 = arith.constant 0 : i32
    %dma_wait3A_205 = arith.constant 0 : i32
    %dma_wait3A_206 = arith.constant 0 : i32
    %dma_wait3A_207 = tpu.memref_slice %arg7[%dma_wait3A_184, %dma_wait3A_204, %dma_wait3A_205, %dma_wait3A_206] : memref<4x8x8x129xf32, #tpu.memory_space<vmem>> -> memref<1x8x8x128xf32, #tpu.memory_space<vmem>>
    %dma_wait3A_208 = tpu.memref_squeeze %dma_wait3A_207 : memref<1x8x8x128xf32, #tpu.memory_space<vmem>> -> memref<8x8x128xf32, #tpu.memory_space<vmem>>
    tpu.wait_dma2 semaphore(%dma_wait3A_198 : memref<!tpu.dma_semaphore, #tpu.memory_space<semaphore_mem>>) src(%dma_wait3A_208 : memref<8x8x128xf32, #tpu.memory_space<vmem>>) dst(%dma_wait3A_203 : memref<8x8x128xf32, #tpu.memory_space<hbm>>)
    return
  }
}

module attributes {stable_mosaic.version = 14 : i64} {
  func.func @body(%arg0: i32, %arg1: memref<64x16384xf32, #tpu.memory_space<vmem>>, %arg2: memref<8192x128xf32, #tpu.memory_space<vmem>>) attributes {dimension_semantics = [#tpu.dimension_semantics<arbitrary>], iteration_bounds = array<i64: 61>, scalar_prefetch = 0 : i64, scratch_operands = 0 : i64, tpu.core_type = #tpu.core_type<tc>, window_params = [{transform_indices = @transform_0, window_bounds = array<i64: 64, 16384>}, {transform_indices = @transform_1, window_bounds = array<i64: 8192, 128>}]} {
    %get3A = arith.constant 0 : index
    %get3A_0 = arith.constant 0 : index
    %get3A_1 = vector.load %arg1[%get3A, %get3A_0] : memref<64x16384xf32, #tpu.memory_space<vmem>>, vector<64x256xf32>
    %get3A_2 = arith.constant 0 : index
    %get3A_3 = arith.constant 256 : index
    %get3A_4 = vector.load %arg1[%get3A_2, %get3A_3] : memref<64x16384xf32, #tpu.memory_space<vmem>>, vector<64x256xf32>
    %concatenate3A = tpu.concatenate %get3A_1, %get3A_4 in 0 : vector<64x256xf32>, vector<64x256xf32> -> vector<128x256xf32>
    %transpose3A = tpu.transpose %concatenate3A, [1, 0] : vector<128x256xf32> -> vector<256x128xf32>
    %swap3A = arith.constant 0 : index
    %swap3A_5 = arith.constant 0 : index
    %swap3A_6 = vector.load %arg2[%swap3A, %swap3A_5] : memref<8192x128xf32, #tpu.memory_space<vmem>>, vector<256x128xf32>
    tpu.vector_store %arg2[%swap3A, %swap3A_5], %transpose3A {strides = array<i32>} : memref<8192x128xf32, #tpu.memory_space<vmem>>, vector<256x128xf32>,
    %get3A_7 = arith.constant 0 : index
    %get3A_8 = arith.constant 512 : index
    %get3A_9 = vector.load %arg1[%get3A_7, %get3A_8] : memref<64x16384xf32, #tpu.memory_space<vmem>>, vector<64x256xf32>
    %get3A_10 = arith.constant 0 : index
    %get3A_11 = arith.constant 768 : index
    %get3A_12 = vector.load %arg1[%get3A_10, %get3A_11] : memref<64x16384xf32, #tpu.memory_space<vmem>>, vector<64x256xf32>
    %concatenate3A_13 = tpu.concatenate %get3A_9, %get3A_12 in 0 : vector<64x256xf32>, vector<64x256xf32> -> vector<128x256xf32>
    %transpose3A_14 = tpu.transpose %concatenate3A_13, [1, 0] : vector<128x256xf32> -> vector<256x128xf32>
    %swap3A_15 = arith.constant 256 : index
    %swap3A_16 = arith.constant 0 : index
    %swap3A_17 = vector.load %arg2[%swap3A_15, %swap3A_16] : memref<8192x128xf32, #tpu.memory_space<vmem>>, vector<256x128xf32>
    tpu.vector_store %arg2[%swap3A_15, %swap3A_16], %transpose3A_14 {strides = array<i32>} : memref<8192x128xf32, #tpu.memory_space<vmem>>, vector<256x128xf32>,
    %get3A_18 = arith.constant 0 : index
    %get3A_19 = arith.constant 1024 : index
    %get3A_20 = vector.load %arg1[%get3A_18, %get3A_19] : memref<64x16384xf32, #tpu.memory_space<vmem>>, vector<64x256xf32>
    %get3A_21 = arith.constant 0 : index
    %get3A_22 = arith.constant 1280 : index
    %get3A_23 = vector.load %arg1[%get3A_21, %get3A_22] : memref<64x16384xf32, #tpu.memory_space<vmem>>, vector<64x256xf32>
    %concatenate3A_24 = tpu.concatenate %get3A_20, %get3A_23 in 0 : vector<64x256xf32>, vector<64x256xf32> -> vector<128x256xf32>
    %transpose3A_25 = tpu.transpose %concatenate3A_24, [1, 0] : vector<128x256xf32> -> vector<256x128xf32>
    %swap3A_26 = arith.constant 512 : index
    %swap3A_27 = arith.constant 0 : index
    %swap3A_28 = vector.load %arg2[%swap3A_26, %swap3A_27] : memref<8192x128xf32, #tpu.memory_space<vmem>>, vector<256x128xf32>
    tpu.vector_store %arg2[%swap3A_26, %swap3A_27], %transpose3A_25 {strides = array<i32>} : memref<8192x128xf32, #tpu.memory_space<vmem>>, vector<256x128xf32>,
    %get3A_29 = arith.constant 0 : index
    %get3A_30 = arith.constant 1536 : index
    %get3A_31 = vector.load %arg1[%get3A_29, %get3A_30] : memref<64x16384xf32, #tpu.memory_space<vmem>>, vector<64x256xf32>
    %get3A_32 = arith.constant 0 : index
    %get3A_33 = arith.constant 1792 : index
    %get3A_34 = vector.load %arg1[%get3A_32, %get3A_33] : memref<64x16384xf32, #tpu.memory_space<vmem>>, vector<64x256xf32>
    %concatenate3A_35 = tpu.concatenate %get3A_31, %get3A_34 in 0 : vector<64x256xf32>, vector<64x256xf32> -> vector<128x256xf32>
    %transpose3A_36 = tpu.transpose %concatenate3A_35, [1, 0] : vector<128x256xf32> -> vector<256x128xf32>
    %swap3A_37 = arith.constant 768 : index
    %swap3A_38 = arith.constant 0 : index
    %swap3A_39 = vector.load %arg2[%swap3A_37, %swap3A_38] : memref<8192x128xf32, #tpu.memory_space<vmem>>, vector<256x128xf32>
    tpu.vector_store %arg2[%swap3A_37, %swap3A_38], %transpose3A_36 {strides = array<i32>} : memref<8192x128xf32, #tpu.memory_space<vmem>>, vector<256x128xf32>,
    %get3A_40 = arith.constant 0 : index
    %get3A_41 = arith.constant 2048 : index
    %get3A_42 = vector.load %arg1[%get3A_40, %get3A_41] : memref<64x16384xf32, #tpu.memory_space<vmem>>, vector<64x256xf32>
    %get3A_43 = arith.constant 0 : index
    %get3A_44 = arith.constant 2304 : index
    %get3A_45 = vector.load %arg1[%get3A_43, %get3A_44] : memref<64x16384xf32, #tpu.memory_space<vmem>>, vector<64x256xf32>
    %concatenate3A_46 = tpu.concatenate %get3A_42, %get3A_45 in 0 : vector<64x256xf32>, vector<64x256xf32> -> vector<128x256xf32>
    %transpose3A_47 = tpu.transpose %concatenate3A_46, [1, 0] : vector<128x256xf32> -> vector<256x128xf32>
    %swap3A_48 = arith.constant 1024 : index
    %swap3A_49 = arith.constant 0 : index
    %swap3A_50 = vector.load %arg2[%swap3A_48, %swap3A_49] : memref<8192x128xf32, #tpu.memory_space<vmem>>, vector<256x128xf32>
    tpu.vector_store %arg2[%swap3A_48, %swap3A_49], %transpose3A_47 {strides = array<i32>} : memref<8192x128xf32, #tpu.memory_space<vmem>>, vector<256x128xf32>,
    %get3A_51 = arith.constant 0 : index
    %get3A_52 = arith.constant 2560 : index
    %get3A_53 = vector.load %arg1[%get3A_51, %get3A_52] : memref<64x16384xf32, #tpu.memory_space<vmem>>, vector<64x256xf32>
    %get3A_54 = arith.constant 0 : index
    %get3A_55 = arith.constant 2816 : index
    %get3A_56 = vector.load %arg1[%get3A_54, %get3A_55] : memref<64x16384xf32, #tpu.memory_space<vmem>>, vector<64x256xf32>
    %concatenate3A_57 = tpu.concatenate %get3A_53, %get3A_56 in 0 : vector<64x256xf32>, vector<64x256xf32> -> vector<128x256xf32>
    %transpose3A_58 = tpu.transpose %concatenate3A_57, [1, 0] : vector<128x256xf32> -> vector<256x128xf32>
    %swap3A_59 = arith.constant 1280 : index
    %swap3A_60 = arith.constant 0 : index
    %swap3A_61 = vector.load %arg2[%swap3A_59, %swap3A_60] : memref<8192x128xf32, #tpu.memory_space<vmem>>, vector<256x128xf32>
    tpu.vector_store %arg2[%swap3A_59, %swap3A_60], %transpose3A_58 {strides = array<i32>} : memref<8192x128xf32, #tpu.memory_space<vmem>>, vector<256x128xf32>,
    %get3A_62 = arith.constant 0 : index
    %get3A_63 = arith.constant 3072 : index
    %get3A_64 = vector.load %arg1[%get3A_62, %get3A_63] : memref<64x16384xf32, #tpu.memory_space<vmem>>, vector<64x256xf32>
    %get3A_65 = arith.constant 0 : index
    %get3A_66 = arith.constant 3328 : index
    %get3A_67 = vector.load %arg1[%get3A_65, %get3A_66] : memref<64x16384xf32, #tpu.memory_space<vmem>>, vector<64x256xf32>
    %concatenate3A_68 = tpu.concatenate %get3A_64, %get3A_67 in 0 : vector<64x256xf32>, vector<64x256xf32> -> vector<128x256xf32>
    %transpose3A_69 = tpu.transpose %concatenate3A_68, [1, 0] : vector<128x256xf32> -> vector<256x128xf32>
    %swap3A_70 = arith.constant 1536 : index
    %swap3A_71 = arith.constant 0 : index
    %swap3A_72 = vector.load %arg2[%swap3A_70, %swap3A_71] : memref<8192x128xf32, #tpu.memory_space<vmem>>, vector<256x128xf32>
    tpu.vector_store %arg2[%swap3A_70, %swap3A_71], %transpose3A_69 {strides = array<i32>} : memref<8192x128xf32, #tpu.memory_space<vmem>>, vector<256x128xf32>,
    %get3A_73 = arith.constant 0 : index
    %get3A_74 = arith.constant 3584 : index
    %get3A_75 = vector.load %arg1[%get3A_73, %get3A_74] : memref<64x16384xf32, #tpu.memory_space<vmem>>, vector<64x256xf32>
    %get3A_76 = arith.constant 0 : index
    %get3A_77 = arith.constant 3840 : index
    %get3A_78 = vector.load %arg1[%get3A_76, %get3A_77] : memref<64x16384xf32, #tpu.memory_space<vmem>>, vector<64x256xf32>
    %concatenate3A_79 = tpu.concatenate %get3A_75, %get3A_78 in 0 : vector<64x256xf32>, vector<64x256xf32> -> vector<128x256xf32>
    %transpose3A_80 = tpu.transpose %concatenate3A_79, [1, 0] : vector<128x256xf32> -> vector<256x128xf32>
    %swap3A_81 = arith.constant 1792 : index
    %swap3A_82 = arith.constant 0 : index
    %swap3A_83 = vector.load %arg2[%swap3A_81, %swap3A_82] : memref<8192x128xf32, #tpu.memory_space<vmem>>, vector<256x128xf32>
    tpu.vector_store %arg2[%swap3A_81, %swap3A_82], %transpose3A_80 {strides = array<i32>} : memref<8192x128xf32, #tpu.memory_space<vmem>>, vector<256x128xf32>,
    %get3A_84 = arith.constant 0 : index
    %get3A_85 = arith.constant 4096 : index
    %get3A_86 = vector.load %arg1[%get3A_84, %get3A_85] : memref<64x16384xf32, #tpu.memory_space<vmem>>, vector<64x256xf32>
    %get3A_87 = arith.constant 0 : index
    %get3A_88 = arith.constant 4352 : index
    %get3A_89 = vector.load %arg1[%get3A_87, %get3A_88] : memref<64x16384xf32, #tpu.memory_space<vmem>>, vector<64x256xf32>
    %concatenate3A_90 = tpu.concatenate %get3A_86, %get3A_89 in 0 : vector<64x256xf32>, vector<64x256xf32> -> vector<128x256xf32>
    %transpose3A_91 = tpu.transpose %concatenate3A_90, [1, 0] : vector<128x256xf32> -> vector<256x128xf32>
    %swap3A_92 = arith.constant 2048 : index
    %swap3A_93 = arith.constant 0 : index
    %swap3A_94 = vector.load %arg2[%swap3A_92, %swap3A_93] : memref<8192x128xf32, #tpu.memory_space<vmem>>, vector<256x128xf32>
    tpu.vector_store %arg2[%swap3A_92, %swap3A_93], %transpose3A_91 {strides = array<i32>} : memref<8192x128xf32, #tpu.memory_space<vmem>>, vector<256x128xf32>,
    %get3A_95 = arith.constant 0 : index
    %get3A_96 = arith.constant 4608 : index
    %get3A_97 = vector.load %arg1[%get3A_95, %get3A_96] : memref<64x16384xf32, #tpu.memory_space<vmem>>, vector<64x256xf32>
    %get3A_98 = arith.constant 0 : index
    %get3A_99 = arith.constant 4864 : index
    %get3A_100 = vector.load %arg1[%get3A_98, %get3A_99] : memref<64x16384xf32, #tpu.memory_space<vmem>>, vector<64x256xf32>
    %concatenate3A_101 = tpu.concatenate %get3A_97, %get3A_100 in 0 : vector<64x256xf32>, vector<64x256xf32> -> vector<128x256xf32>
    %transpose3A_102 = tpu.transpose %concatenate3A_101, [1, 0] : vector<128x256xf32> -> vector<256x128xf32>
    %swap3A_103 = arith.constant 2304 : index
    %swap3A_104 = arith.constant 0 : index
    %swap3A_105 = vector.load %arg2[%swap3A_103, %swap3A_104] : memref<8192x128xf32, #tpu.memory_space<vmem>>, vector<256x128xf32>
    tpu.vector_store %arg2[%swap3A_103, %swap3A_104], %transpose3A_102 {strides = array<i32>} : memref<8192x128xf32, #tpu.memory_space<vmem>>, vector<256x128xf32>,
    %get3A_106 = arith.constant 0 : index
    %get3A_107 = arith.constant 5120 : index
    %get3A_108 = vector.load %arg1[%get3A_106, %get3A_107] : memref<64x16384xf32, #tpu.memory_space<vmem>>, vector<64x256xf32>
    %get3A_109 = arith.constant 0 : index
    %get3A_110 = arith.constant 5376 : index
    %get3A_111 = vector.load %arg1[%get3A_109, %get3A_110] : memref<64x16384xf32, #tpu.memory_space<vmem>>, vector<64x256xf32>
    %concatenate3A_112 = tpu.concatenate %get3A_108, %get3A_111 in 0 : vector<64x256xf32>, vector<64x256xf32> -> vector<128x256xf32>
    %transpose3A_113 = tpu.transpose %concatenate3A_112, [1, 0] : vector<128x256xf32> -> vector<256x128xf32>
    %swap3A_114 = arith.constant 2560 : index
    %swap3A_115 = arith.constant 0 : index
    %swap3A_116 = vector.load %arg2[%swap3A_114, %swap3A_115] : memref<8192x128xf32, #tpu.memory_space<vmem>>, vector<256x128xf32>
    tpu.vector_store %arg2[%swap3A_114, %swap3A_115], %transpose3A_113 {strides = array<i32>} : memref<8192x128xf32, #tpu.memory_space<vmem>>, vector<256x128xf32>,
    %get3A_117 = arith.constant 0 : index
    %get3A_118 = arith.constant 5632 : index
    %get3A_119 = vector.load %arg1[%get3A_117, %get3A_118] : memref<64x16384xf32, #tpu.memory_space<vmem>>, vector<64x256xf32>
    %get3A_120 = arith.constant 0 : index
    %get3A_121 = arith.constant 5888 : index
    %get3A_122 = vector.load %arg1[%get3A_120, %get3A_121] : memref<64x16384xf32, #tpu.memory_space<vmem>>, vector<64x256xf32>
    %concatenate3A_123 = tpu.concatenate %get3A_119, %get3A_122 in 0 : vector<64x256xf32>, vector<64x256xf32> -> vector<128x256xf32>
    %transpose3A_124 = tpu.transpose %concatenate3A_123, [1, 0] : vector<128x256xf32> -> vector<256x128xf32>
    %swap3A_125 = arith.constant 2816 : index
    %swap3A_126 = arith.constant 0 : index
    %swap3A_127 = vector.load %arg2[%swap3A_125, %swap3A_126] : memref<8192x128xf32, #tpu.memory_space<vmem>>, vector<256x128xf32>
    tpu.vector_store %arg2[%swap3A_125, %swap3A_126], %transpose3A_124 {strides = array<i32>} : memref<8192x128xf32, #tpu.memory_space<vmem>>, vector<256x128xf32>,
    %get3A_128 = arith.constant 0 : index
    %get3A_129 = arith.constant 6144 : index
    %get3A_130 = vector.load %arg1[%get3A_128, %get3A_129] : memref<64x16384xf32, #tpu.memory_space<vmem>>, vector<64x256xf32>
    %get3A_131 = arith.constant 0 : index
    %get3A_132 = arith.constant 6400 : index
    %get3A_133 = vector.load %arg1[%get3A_131, %get3A_132] : memref<64x16384xf32, #tpu.memory_space<vmem>>, vector<64x256xf32>
    %concatenate3A_134 = tpu.concatenate %get3A_130, %get3A_133 in 0 : vector<64x256xf32>, vector<64x256xf32> -> vector<128x256xf32>
    %transpose3A_135 = tpu.transpose %concatenate3A_134, [1, 0] : vector<128x256xf32> -> vector<256x128xf32>
    %swap3A_136 = arith.constant 3072 : index
    %swap3A_137 = arith.constant 0 : index
    %swap3A_138 = vector.load %arg2[%swap3A_136, %swap3A_137] : memref<8192x128xf32, #tpu.memory_space<vmem>>, vector<256x128xf32>
    tpu.vector_store %arg2[%swap3A_136, %swap3A_137], %transpose3A_135 {strides = array<i32>} : memref<8192x128xf32, #tpu.memory_space<vmem>>, vector<256x128xf32>,
    %get3A_139 = arith.constant 0 : index
    %get3A_140 = arith.constant 6656 : index
    %get3A_141 = vector.load %arg1[%get3A_139, %get3A_140] : memref<64x16384xf32, #tpu.memory_space<vmem>>, vector<64x256xf32>
    %get3A_142 = arith.constant 0 : index
    %get3A_143 = arith.constant 6912 : index
    %get3A_144 = vector.load %arg1[%get3A_142, %get3A_143] : memref<64x16384xf32, #tpu.memory_space<vmem>>, vector<64x256xf32>
    %concatenate3A_145 = tpu.concatenate %get3A_141, %get3A_144 in 0 : vector<64x256xf32>, vector<64x256xf32> -> vector<128x256xf32>
    %transpose3A_146 = tpu.transpose %concatenate3A_145, [1, 0] : vector<128x256xf32> -> vector<256x128xf32>
    %swap3A_147 = arith.constant 3328 : index
    %swap3A_148 = arith.constant 0 : index
    %swap3A_149 = vector.load %arg2[%swap3A_147, %swap3A_148] : memref<8192x128xf32, #tpu.memory_space<vmem>>, vector<256x128xf32>
    tpu.vector_store %arg2[%swap3A_147, %swap3A_148], %transpose3A_146 {strides = array<i32>} : memref<8192x128xf32, #tpu.memory_space<vmem>>, vector<256x128xf32>,
    %get3A_150 = arith.constant 0 : index
    %get3A_151 = arith.constant 7168 : index
    %get3A_152 = vector.load %arg1[%get3A_150, %get3A_151] : memref<64x16384xf32, #tpu.memory_space<vmem>>, vector<64x256xf32>
    %get3A_153 = arith.constant 0 : index
    %get3A_154 = arith.constant 7424 : index
    %get3A_155 = vector.load %arg1[%get3A_153, %get3A_154] : memref<64x16384xf32, #tpu.memory_space<vmem>>, vector<64x256xf32>
    %concatenate3A_156 = tpu.concatenate %get3A_152, %get3A_155 in 0 : vector<64x256xf32>, vector<64x256xf32> -> vector<128x256xf32>
    %transpose3A_157 = tpu.transpose %concatenate3A_156, [1, 0] : vector<128x256xf32> -> vector<256x128xf32>
    %swap3A_158 = arith.constant 3584 : index
    %swap3A_159 = arith.constant 0 : index
    %swap3A_160 = vector.load %arg2[%swap3A_158, %swap3A_159] : memref<8192x128xf32, #tpu.memory_space<vmem>>, vector<256x128xf32>
    tpu.vector_store %arg2[%swap3A_158, %swap3A_159], %transpose3A_157 {strides = array<i32>} : memref<8192x128xf32, #tpu.memory_space<vmem>>, vector<256x128xf32>,
    %get3A_161 = arith.constant 0 : index
    %get3A_162 = arith.constant 7680 : index
    %get3A_163 = vector.load %arg1[%get3A_161, %get3A_162] : memref<64x16384xf32, #tpu.memory_space<vmem>>, vector<64x256xf32>
    %get3A_164 = arith.constant 0 : index
    %get3A_165 = arith.constant 7936 : index
    %get3A_166 = vector.load %arg1[%get3A_164, %get3A_165] : memref<64x16384xf32, #tpu.memory_space<vmem>>, vector<64x256xf32>
    %concatenate3A_167 = tpu.concatenate %get3A_163, %get3A_166 in 0 : vector<64x256xf32>, vector<64x256xf32> -> vector<128x256xf32>
    %transpose3A_168 = tpu.transpose %concatenate3A_167, [1, 0] : vector<128x256xf32> -> vector<256x128xf32>
    %swap3A_169 = arith.constant 3840 : index
    %swap3A_170 = arith.constant 0 : index
    %swap3A_171 = vector.load %arg2[%swap3A_169, %swap3A_170] : memref<8192x128xf32, #tpu.memory_space<vmem>>, vector<256x128xf32>
    tpu.vector_store %arg2[%swap3A_169, %swap3A_170], %transpose3A_168 {strides = array<i32>} : memref<8192x128xf32, #tpu.memory_space<vmem>>, vector<256x128xf32>,
    %get3A_172 = arith.constant 0 : index
    %get3A_173 = arith.constant 8192 : index
    %get3A_174 = vector.load %arg1[%get3A_172, %get3A_173] : memref<64x16384xf32, #tpu.memory_space<vmem>>, vector<64x256xf32>
    %get3A_175 = arith.constant 0 : index
    %get3A_176 = arith.constant 8448 : index
    %get3A_177 = vector.load %arg1[%get3A_175, %get3A_176] : memref<64x16384xf32, #tpu.memory_space<vmem>>, vector<64x256xf32>
    %concatenate3A_178 = tpu.concatenate %get3A_174, %get3A_177 in 0 : vector<64x256xf32>, vector<64x256xf32> -> vector<128x256xf32>
    %transpose3A_179 = tpu.transpose %concatenate3A_178, [1, 0] : vector<128x256xf32> -> vector<256x128xf32>
    %swap3A_180 = arith.constant 4096 : index
    %swap3A_181 = arith.constant 0 : index
    %swap3A_182 = vector.load %arg2[%swap3A_180, %swap3A_181] : memref<8192x128xf32, #tpu.memory_space<vmem>>, vector<256x128xf32>
    tpu.vector_store %arg2[%swap3A_180, %swap3A_181], %transpose3A_179 {strides = array<i32>} : memref<8192x128xf32, #tpu.memory_space<vmem>>, vector<256x128xf32>,
    %get3A_183 = arith.constant 0 : index
    %get3A_184 = arith.constant 8704 : index
    %get3A_185 = vector.load %arg1[%get3A_183, %get3A_184] : memref<64x16384xf32, #tpu.memory_space<vmem>>, vector<64x256xf32>
    %get3A_186 = arith.constant 0 : index
    %get3A_187 = arith.constant 8960 : index
    %get3A_188 = vector.load %arg1[%get3A_186, %get3A_187] : memref<64x16384xf32, #tpu.memory_space<vmem>>, vector<64x256xf32>
    %concatenate3A_189 = tpu.concatenate %get3A_185, %get3A_188 in 0 : vector<64x256xf32>, vector<64x256xf32> -> vector<128x256xf32>
    %transpose3A_190 = tpu.transpose %concatenate3A_189, [1, 0] : vector<128x256xf32> -> vector<256x128xf32>
    %swap3A_191 = arith.constant 4352 : index
    %swap3A_192 = arith.constant 0 : index
    %swap3A_193 = vector.load %arg2[%swap3A_191, %swap3A_192] : memref<8192x128xf32, #tpu.memory_space<vmem>>, vector<256x128xf32>
    tpu.vector_store %arg2[%swap3A_191, %swap3A_192], %transpose3A_190 {strides = array<i32>} : memref<8192x128xf32, #tpu.memory_space<vmem>>, vector<256x128xf32>,
    %get3A_194 = arith.constant 0 : index
    %get3A_195 = arith.constant 9216 : index
    %get3A_196 = vector.load %arg1[%get3A_194, %get3A_195] : memref<64x16384xf32, #tpu.memory_space<vmem>>, vector<64x256xf32>
    %get3A_197 = arith.constant 0 : index
    %get3A_198 = arith.constant 9472 : index
    %get3A_199 = vector.load %arg1[%get3A_197, %get3A_198] : memref<64x16384xf32, #tpu.memory_space<vmem>>, vector<64x256xf32>
    %concatenate3A_200 = tpu.concatenate %get3A_196, %get3A_199 in 0 : vector<64x256xf32>, vector<64x256xf32> -> vector<128x256xf32>
    %transpose3A_201 = tpu.transpose %concatenate3A_200, [1, 0] : vector<128x256xf32> -> vector<256x128xf32>
    %swap3A_202 = arith.constant 4608 : index
    %swap3A_203 = arith.constant 0 : index
    %swap3A_204 = vector.load %arg2[%swap3A_202, %swap3A_203] : memref<8192x128xf32, #tpu.memory_space<vmem>>, vector<256x128xf32>
    tpu.vector_store %arg2[%swap3A_202, %swap3A_203], %transpose3A_201 {strides = array<i32>} : memref<8192x128xf32, #tpu.memory_space<vmem>>, vector<256x128xf32>,
    %get3A_205 = arith.constant 0 : index
    %get3A_206 = arith.constant 9728 : index
    %get3A_207 = vector.load %arg1[%get3A_205, %get3A_206] : memref<64x16384xf32, #tpu.memory_space<vmem>>, vector<64x256xf32>
    %get3A_208 = arith.constant 0 : index
    %get3A_209 = arith.constant 9984 : index
    %get3A_210 = vector.load %arg1[%get3A_208, %get3A_209] : memref<64x16384xf32, #tpu.memory_space<vmem>>, vector<64x256xf32>
    %concatenate3A_211 = tpu.concatenate %get3A_207, %get3A_210 in 0 : vector<64x256xf32>, vector<64x256xf32> -> vector<128x256xf32>
    %transpose3A_212 = tpu.transpose %concatenate3A_211, [1, 0] : vector<128x256xf32> -> vector<256x128xf32>
    %swap3A_213 = arith.constant 4864 : index
    %swap3A_214 = arith.constant 0 : index
    %swap3A_215 = vector.load %arg2[%swap3A_213, %swap3A_214] : memref<8192x128xf32, #tpu.memory_space<vmem>>, vector<256x128xf32>
    tpu.vector_store %arg2[%swap3A_213, %swap3A_214], %transpose3A_212 {strides = array<i32>} : memref<8192x128xf32, #tpu.memory_space<vmem>>, vector<256x128xf32>,
    %get3A_216 = arith.constant 0 : index
    %get3A_217 = arith.constant 10240 : index
    %get3A_218 = vector.load %arg1[%get3A_216, %get3A_217] : memref<64x16384xf32, #tpu.memory_space<vmem>>, vector<64x256xf32>
    %get3A_219 = arith.constant 0 : index
    %get3A_220 = arith.constant 10496 : index
    %get3A_221 = vector.load %arg1[%get3A_219, %get3A_220] : memref<64x16384xf32, #tpu.memory_space<vmem>>, vector<64x256xf32>
    %concatenate3A_222 = tpu.concatenate %get3A_218, %get3A_221 in 0 : vector<64x256xf32>, vector<64x256xf32> -> vector<128x256xf32>
    %transpose3A_223 = tpu.transpose %concatenate3A_222, [1, 0] : vector<128x256xf32> -> vector<256x128xf32>
    %swap3A_224 = arith.constant 5120 : index
    %swap3A_225 = arith.constant 0 : index
    %swap3A_226 = vector.load %arg2[%swap3A_224, %swap3A_225] : memref<8192x128xf32, #tpu.memory_space<vmem>>, vector<256x128xf32>
    tpu.vector_store %arg2[%swap3A_224, %swap3A_225], %transpose3A_223 {strides = array<i32>} : memref<8192x128xf32, #tpu.memory_space<vmem>>, vector<256x128xf32>,
    %get3A_227 = arith.constant 0 : index
    %get3A_228 = arith.constant 10752 : index
    %get3A_229 = vector.load %arg1[%get3A_227, %get3A_228] : memref<64x16384xf32, #tpu.memory_space<vmem>>, vector<64x256xf32>
    %get3A_230 = arith.constant 0 : index
    %get3A_231 = arith.constant 11008 : index
    %get3A_232 = vector.load %arg1[%get3A_230, %get3A_231] : memref<64x16384xf32, #tpu.memory_space<vmem>>, vector<64x256xf32>
    %concatenate3A_233 = tpu.concatenate %get3A_229, %get3A_232 in 0 : vector<64x256xf32>, vector<64x256xf32> -> vector<128x256xf32>
    %transpose3A_234 = tpu.transpose %concatenate3A_233, [1, 0] : vector<128x256xf32> -> vector<256x128xf32>
    %swap3A_235 = arith.constant 5376 : index
    %swap3A_236 = arith.constant 0 : index
    %swap3A_237 = vector.load %arg2[%swap3A_235, %swap3A_236] : memref<8192x128xf32, #tpu.memory_space<vmem>>, vector<256x128xf32>
    tpu.vector_store %arg2[%swap3A_235, %swap3A_236], %transpose3A_234 {strides = array<i32>} : memref<8192x128xf32, #tpu.memory_space<vmem>>, vector<256x128xf32>,
    %get3A_238 = arith.constant 0 : index
    %get3A_239 = arith.constant 11264 : index
    %get3A_240 = vector.load %arg1[%get3A_238, %get3A_239] : memref<64x16384xf32, #tpu.memory_space<vmem>>, vector<64x256xf32>
    %get3A_241 = arith.constant 0 : index
    %get3A_242 = arith.constant 11520 : index
    %get3A_243 = vector.load %arg1[%get3A_241, %get3A_242] : memref<64x16384xf32, #tpu.memory_space<vmem>>, vector<64x256xf32>
    %concatenate3A_244 = tpu.concatenate %get3A_240, %get3A_243 in 0 : vector<64x256xf32>, vector<64x256xf32> -> vector<128x256xf32>
    %transpose3A_245 = tpu.transpose %concatenate3A_244, [1, 0] : vector<128x256xf32> -> vector<256x128xf32>
    %swap3A_246 = arith.constant 5632 : index
    %swap3A_247 = arith.constant 0 : index
    %swap3A_248 = vector.load %arg2[%swap3A_246, %swap3A_247] : memref<8192x128xf32, #tpu.memory_space<vmem>>, vector<256x128xf32>
    tpu.vector_store %arg2[%swap3A_246, %swap3A_247], %transpose3A_245 {strides = array<i32>} : memref<8192x128xf32, #tpu.memory_space<vmem>>, vector<256x128xf32>,
    %get3A_249 = arith.constant 0 : index
    %get3A_250 = arith.constant 11776 : index
    %get3A_251 = vector.load %arg1[%get3A_249, %get3A_250] : memref<64x16384xf32, #tpu.memory_space<vmem>>, vector<64x256xf32>
    %get3A_252 = arith.constant 0 : index
    %get3A_253 = arith.constant 12032 : index
    %get3A_254 = vector.load %arg1[%get3A_252, %get3A_253] : memref<64x16384xf32, #tpu.memory_space<vmem>>, vector<64x256xf32>
    %concatenate3A_255 = tpu.concatenate %get3A_251, %get3A_254 in 0 : vector<64x256xf32>, vector<64x256xf32> -> vector<128x256xf32>
    %transpose3A_256 = tpu.transpose %concatenate3A_255, [1, 0] : vector<128x256xf32> -> vector<256x128xf32>
    %swap3A_257 = arith.constant 5888 : index
    %swap3A_258 = arith.constant 0 : index
    %swap3A_259 = vector.load %arg2[%swap3A_257, %swap3A_258] : memref<8192x128xf32, #tpu.memory_space<vmem>>, vector<256x128xf32>
    tpu.vector_store %arg2[%swap3A_257, %swap3A_258], %transpose3A_256 {strides = array<i32>} : memref<8192x128xf32, #tpu.memory_space<vmem>>, vector<256x128xf32>,
    %get3A_260 = arith.constant 0 : index
    %get3A_261 = arith.constant 12288 : index
    %get3A_262 = vector.load %arg1[%get3A_260, %get3A_261] : memref<64x16384xf32, #tpu.memory_space<vmem>>, vector<64x256xf32>
    %get3A_263 = arith.constant 0 : index
    %get3A_264 = arith.constant 12544 : index
    %get3A_265 = vector.load %arg1[%get3A_263, %get3A_264] : memref<64x16384xf32, #tpu.memory_space<vmem>>, vector<64x256xf32>
    %concatenate3A_266 = tpu.concatenate %get3A_262, %get3A_265 in 0 : vector<64x256xf32>, vector<64x256xf32> -> vector<128x256xf32>
    %transpose3A_267 = tpu.transpose %concatenate3A_266, [1, 0] : vector<128x256xf32> -> vector<256x128xf32>
    %swap3A_268 = arith.constant 6144 : index
    %swap3A_269 = arith.constant 0 : index
    %swap3A_270 = vector.load %arg2[%swap3A_268, %swap3A_269] : memref<8192x128xf32, #tpu.memory_space<vmem>>, vector<256x128xf32>
    tpu.vector_store %arg2[%swap3A_268, %swap3A_269], %transpose3A_267 {strides = array<i32>} : memref<8192x128xf32, #tpu.memory_space<vmem>>, vector<256x128xf32>,
    %get3A_271 = arith.constant 0 : index
    %get3A_272 = arith.constant 12800 : index
    %get3A_273 = vector.load %arg1[%get3A_271, %get3A_272] : memref<64x16384xf32, #tpu.memory_space<vmem>>, vector<64x256xf32>
    %get3A_274 = arith.constant 0 : index
    %get3A_275 = arith.constant 13056 : index
    %get3A_276 = vector.load %arg1[%get3A_274, %get3A_275] : memref<64x16384xf32, #tpu.memory_space<vmem>>, vector<64x256xf32>
    %concatenate3A_277 = tpu.concatenate %get3A_273, %get3A_276 in 0 : vector<64x256xf32>, vector<64x256xf32> -> vector<128x256xf32>
    %transpose3A_278 = tpu.transpose %concatenate3A_277, [1, 0] : vector<128x256xf32> -> vector<256x128xf32>
    %swap3A_279 = arith.constant 6400 : index
    %swap3A_280 = arith.constant 0 : index
    %swap3A_281 = vector.load %arg2[%swap3A_279, %swap3A_280] : memref<8192x128xf32, #tpu.memory_space<vmem>>, vector<256x128xf32>
    tpu.vector_store %arg2[%swap3A_279, %swap3A_280], %transpose3A_278 {strides = array<i32>} : memref<8192x128xf32, #tpu.memory_space<vmem>>, vector<256x128xf32>,
    %get3A_282 = arith.constant 0 : index
    %get3A_283 = arith.constant 13312 : index
    %get3A_284 = vector.load %arg1[%get3A_282, %get3A_283] : memref<64x16384xf32, #tpu.memory_space<vmem>>, vector<64x256xf32>
    %get3A_285 = arith.constant 0 : index
    %get3A_286 = arith.constant 13568 : index
    %get3A_287 = vector.load %arg1[%get3A_285, %get3A_286] : memref<64x16384xf32, #tpu.memory_space<vmem>>, vector<64x256xf32>
    %concatenate3A_288 = tpu.concatenate %get3A_284, %get3A_287 in 0 : vector<64x256xf32>, vector<64x256xf32> -> vector<128x256xf32>
    %transpose3A_289 = tpu.transpose %concatenate3A_288, [1, 0] : vector<128x256xf32> -> vector<256x128xf32>
    %swap3A_290 = arith.constant 6656 : index
    %swap3A_291 = arith.constant 0 : index
    %swap3A_292 = vector.load %arg2[%swap3A_290, %swap3A_291] : memref<8192x128xf32, #tpu.memory_space<vmem>>, vector<256x128xf32>
    tpu.vector_store %arg2[%swap3A_290, %swap3A_291], %transpose3A_289 {strides = array<i32>} : memref<8192x128xf32, #tpu.memory_space<vmem>>, vector<256x128xf32>,
    %get3A_293 = arith.constant 0 : index
    %get3A_294 = arith.constant 13824 : index
    %get3A_295 = vector.load %arg1[%get3A_293, %get3A_294] : memref<64x16384xf32, #tpu.memory_space<vmem>>, vector<64x256xf32>
    %get3A_296 = arith.constant 0 : index
    %get3A_297 = arith.constant 14080 : index
    %get3A_298 = vector.load %arg1[%get3A_296, %get3A_297] : memref<64x16384xf32, #tpu.memory_space<vmem>>, vector<64x256xf32>
    %concatenate3A_299 = tpu.concatenate %get3A_295, %get3A_298 in 0 : vector<64x256xf32>, vector<64x256xf32> -> vector<128x256xf32>
    %transpose3A_300 = tpu.transpose %concatenate3A_299, [1, 0] : vector<128x256xf32> -> vector<256x128xf32>
    %swap3A_301 = arith.constant 6912 : index
    %swap3A_302 = arith.constant 0 : index
    %swap3A_303 = vector.load %arg2[%swap3A_301, %swap3A_302] : memref<8192x128xf32, #tpu.memory_space<vmem>>, vector<256x128xf32>
    tpu.vector_store %arg2[%swap3A_301, %swap3A_302], %transpose3A_300 {strides = array<i32>} : memref<8192x128xf32, #tpu.memory_space<vmem>>, vector<256x128xf32>,
    %get3A_304 = arith.constant 0 : index
    %get3A_305 = arith.constant 14336 : index
    %get3A_306 = vector.load %arg1[%get3A_304, %get3A_305] : memref<64x16384xf32, #tpu.memory_space<vmem>>, vector<64x256xf32>
    %get3A_307 = arith.constant 0 : index
    %get3A_308 = arith.constant 14592 : index
    %get3A_309 = vector.load %arg1[%get3A_307, %get3A_308] : memref<64x16384xf32, #tpu.memory_space<vmem>>, vector<64x256xf32>
    %concatenate3A_310 = tpu.concatenate %get3A_306, %get3A_309 in 0 : vector<64x256xf32>, vector<64x256xf32> -> vector<128x256xf32>
    %transpose3A_311 = tpu.transpose %concatenate3A_310, [1, 0] : vector<128x256xf32> -> vector<256x128xf32>
    %swap3A_312 = arith.constant 7168 : index
    %swap3A_313 = arith.constant 0 : index
    %swap3A_314 = vector.load %arg2[%swap3A_312, %swap3A_313] : memref<8192x128xf32, #tpu.memory_space<vmem>>, vector<256x128xf32>
    tpu.vector_store %arg2[%swap3A_312, %swap3A_313], %transpose3A_311 {strides = array<i32>} : memref<8192x128xf32, #tpu.memory_space<vmem>>, vector<256x128xf32>,
    %get3A_315 = arith.constant 0 : index
    %get3A_316 = arith.constant 14848 : index
    %get3A_317 = vector.load %arg1[%get3A_315, %get3A_316] : memref<64x16384xf32, #tpu.memory_space<vmem>>, vector<64x256xf32>
    %get3A_318 = arith.constant 0 : index
    %get3A_319 = arith.constant 15104 : index
    %get3A_320 = vector.load %arg1[%get3A_318, %get3A_319] : memref<64x16384xf32, #tpu.memory_space<vmem>>, vector<64x256xf32>
    %concatenate3A_321 = tpu.concatenate %get3A_317, %get3A_320 in 0 : vector<64x256xf32>, vector<64x256xf32> -> vector<128x256xf32>
    %transpose3A_322 = tpu.transpose %concatenate3A_321, [1, 0] : vector<128x256xf32> -> vector<256x128xf32>
    %swap3A_323 = arith.constant 7424 : index
    %swap3A_324 = arith.constant 0 : index
    %swap3A_325 = vector.load %arg2[%swap3A_323, %swap3A_324] : memref<8192x128xf32, #tpu.memory_space<vmem>>, vector<256x128xf32>
    tpu.vector_store %arg2[%swap3A_323, %swap3A_324], %transpose3A_322 {strides = array<i32>} : memref<8192x128xf32, #tpu.memory_space<vmem>>, vector<256x128xf32>,
    %get3A_326 = arith.constant 0 : index
    %get3A_327 = arith.constant 15360 : index
    %get3A_328 = vector.load %arg1[%get3A_326, %get3A_327] : memref<64x16384xf32, #tpu.memory_space<vmem>>, vector<64x256xf32>
    %get3A_329 = arith.constant 0 : index
    %get3A_330 = arith.constant 15616 : index
    %get3A_331 = vector.load %arg1[%get3A_329, %get3A_330] : memref<64x16384xf32, #tpu.memory_space<vmem>>, vector<64x256xf32>
    %concatenate3A_332 = tpu.concatenate %get3A_328, %get3A_331 in 0 : vector<64x256xf32>, vector<64x256xf32> -> vector<128x256xf32>
    %transpose3A_333 = tpu.transpose %concatenate3A_332, [1, 0] : vector<128x256xf32> -> vector<256x128xf32>
    %swap3A_334 = arith.constant 7680 : index
    %swap3A_335 = arith.constant 0 : index
    %swap3A_336 = vector.load %arg2[%swap3A_334, %swap3A_335] : memref<8192x128xf32, #tpu.memory_space<vmem>>, vector<256x128xf32>
    tpu.vector_store %arg2[%swap3A_334, %swap3A_335], %transpose3A_333 {strides = array<i32>} : memref<8192x128xf32, #tpu.memory_space<vmem>>, vector<256x128xf32>,
    %get3A_337 = arith.constant 0 : index
    %get3A_338 = arith.constant 15872 : index
    %get3A_339 = vector.load %arg1[%get3A_337, %get3A_338] : memref<64x16384xf32, #tpu.memory_space<vmem>>, vector<64x256xf32>
    %get3A_340 = arith.constant 0 : index
    %get3A_341 = arith.constant 16128 : index
    %get3A_342 = vector.load %arg1[%get3A_340, %get3A_341] : memref<64x16384xf32, #tpu.memory_space<vmem>>, vector<64x256xf32>
    %concatenate3A_343 = tpu.concatenate %get3A_339, %get3A_342 in 0 : vector<64x256xf32>, vector<64x256xf32> -> vector<128x256xf32>
    %transpose3A_344 = tpu.transpose %concatenate3A_343, [1, 0] : vector<128x256xf32> -> vector<256x128xf32>
    %swap3A_345 = arith.constant 7936 : index
    %swap3A_346 = arith.constant 0 : index
    %swap3A_347 = vector.load %arg2[%swap3A_345, %swap3A_346] : memref<8192x128xf32, #tpu.memory_space<vmem>>, vector<256x128xf32>
    tpu.vector_store %arg2[%swap3A_345, %swap3A_346], %transpose3A_344 {strides = array<i32>} : memref<8192x128xf32, #tpu.memory_space<vmem>>, vector<256x128xf32>,
    return
  }
  func.func @transform_0(%arg0: i32) -> (i32, i32) {
    %c0_i32 = arith.constant 0 : i32
    %c0_i32_0 = arith.constant 0 : i32
    return %c0_i32, %arg0 : i32, i32
  }
  func.func @transform_1(%arg0: i32) -> (i32, i32) {
    %c0_i32 = arith.constant 0 : i32
    %c0_i32_0 = arith.constant 0 : i32
    return %arg0, %c0_i32 : i32, i32
  }
}

module attributes {stable_mosaic.version = 14 : i64} {
  func.func @_lambda_(%arg0: i32, %arg1: memref<64x1024xf32, #tpu.memory_space<vmem>>, %arg2: memref<8x128xf32, #tpu.memory_space<vmem>>, %arg3: memref<512x128xf32, #tpu.memory_space<vmem>>) attributes {dimension_semantics = [#tpu.dimension_semantics<arbitrary>], iteration_bounds = array<i64: 1>, scalar_prefetch = 0 : i64, scratch_operands = 0 : i64, tpu.core_type = #tpu.core_type<tc>, window_params = [{transform_indices = @transform_0, window_bounds = array<i64: 64, 1024>}, {transform_indices = @transform_1, window_bounds = array<i64: 8, 128>}, {transform_indices = @transform_2, window_bounds = array<i64: 512, 128>}]} {
    %get3A = arith.constant 0 : index
    %get3A_0 = arith.constant 0 : index
    %get3A_1 = vector.load %arg1[%get3A, %get3A_0] : memref<64x1024xf32, #tpu.memory_space<vmem>>, vector<64x256xf32>
    %get3A_2 = arith.constant 0 : index
    %get3A_3 = arith.constant 256 : index
    %get3A_4 = vector.load %arg1[%get3A_2, %get3A_3] : memref<64x1024xf32, #tpu.memory_space<vmem>>, vector<64x256xf32>
    %concatenate3A = tpu.concatenate %get3A_1, %get3A_4 in 0 : vector<64x256xf32>, vector<64x256xf32> -> vector<128x256xf32>
    %transpose3A = tpu.transpose %concatenate3A, [1, 0] : vector<128x256xf32> -> vector<256x128xf32>
    %swap3A = arith.constant 0 : index
    %swap3A_5 = arith.constant 0 : index
    %swap3A_6 = vector.load %arg3[%swap3A, %swap3A_5] : memref<512x128xf32, #tpu.memory_space<vmem>>, vector<256x128xf32>
    tpu.vector_store %arg3[%swap3A, %swap3A_5], %transpose3A {strides = array<i32>} : memref<512x128xf32, #tpu.memory_space<vmem>>, vector<256x128xf32>,
    %get3A_7 = arith.constant 0 : index
    %get3A_8 = arith.constant 512 : index
    %get3A_9 = vector.load %arg1[%get3A_7, %get3A_8] : memref<64x1024xf32, #tpu.memory_space<vmem>>, vector<64x256xf32>
    %get3A_10 = arith.constant 0 : index
    %get3A_11 = arith.constant 768 : index
    %get3A_12 = vector.load %arg1[%get3A_10, %get3A_11] : memref<64x1024xf32, #tpu.memory_space<vmem>>, vector<64x256xf32>
    %concatenate3A_13 = tpu.concatenate %get3A_9, %get3A_12 in 0 : vector<64x256xf32>, vector<64x256xf32> -> vector<128x256xf32>
    %transpose3A_14 = tpu.transpose %concatenate3A_13, [1, 0] : vector<128x256xf32> -> vector<256x128xf32>
    %swap3A_15 = arith.constant 256 : index
    %swap3A_16 = arith.constant 0 : index
    %swap3A_17 = vector.load %arg3[%swap3A_15, %swap3A_16] : memref<512x128xf32, #tpu.memory_space<vmem>>, vector<256x128xf32>
    tpu.vector_store %arg3[%swap3A_15, %swap3A_16], %transpose3A_14 {strides = array<i32>} : memref<512x128xf32, #tpu.memory_space<vmem>>, vector<256x128xf32>,
    return
  }
  func.func @transform_0(%arg0: i32) -> (i32, i32) {
    %c0_i32 = arith.constant 0 : i32
    %c976_i32 = arith.constant 976 : i32
    %c0_i32_0 = arith.constant 0 : i32
    return %c0_i32, %c976_i32 : i32, i32
  }
  func.func @transform_1(%arg0: i32) -> (i32, i32) {
    %c0_i32 = arith.constant 0 : i32
    %c0_i32_0 = arith.constant 0 : i32
    %c0_i32_1 = arith.constant 0 : i32
    return %c0_i32, %c0_i32_0 : i32, i32
  }
  func.func @transform_2(%arg0: i32) -> (i32, i32) {
    %c976_i32 = arith.constant 976 : i32
    %c0_i32 = arith.constant 0 : i32
    %c0_i32_0 = arith.constant 0 : i32
    return %c976_i32, %c0_i32 : i32, i32
  }
}

</mosaic_0001>

<sc_bundles>
// kernel: kernel.5.cloned.1.call-start
scs
__scs_entry_jumppad:
0x0: {  	(pc) =	sbr.rel $0x88, $3  }
0x1: {  	(tag) =	ssettag $0x0;
	lr =	simm.s32 $0x1  }
0x2: {  	[smem:$0x3F9F] =	sst lr;
	_ =	strace $0xD0000000  }
0x3: {  	_ = 	snop  }
0x4: {  	_ = 	snop  }
0x5: {  	_ = 	snop  }
0x6: {  	_ = 	snop  }
0x7: {  	_ = 	snop  }
__scs_overlays_trampoline_lowered:
0x8: {  	[smem:$0x3FAE] =	sst s0  }
0x9: {  	[smem:$0x3FAF] =	sst s1  }
0xa: {  	[smem:$0x3FB0] =	sst s2  }
0xb: {  	[smem:$0x3FB1] =	sst s3  }
0xc: {  	[smem:$0x3FB2] =	sst s4  }
0xd: {  	[smem:$0x3FB3] =	sst s5  }
0xe: {  	[smem:$0x3FB4] =	sst s6  }
0xf: {  	[smem:$0x3FB5] =	sst s7  }
0x10: {  	[smem:$0x3FB6] =	sst s8  }
0x11: {  	[smem:$0x3FB7] =	sst s9;
	s0 =	simm.s32 @!p0 $0x0  }
0x12: {  	s1 =	sld [smem:$0x3F9D];
	s0 =	simm.s32 @p0 $0x1  }
0x13: {  	[smem:$0x3FB8] =	sst s0;
	s0 =	simm.s32 @!p1 $0x0  }
0x14: {  	s2 =	sld [smem:$0x3F9C];
	s0 =	simm.s32 @p1 $0x1  }
0x15: {  	[smem:$0x3FB9] =	sst s0;
	s0 =	simm.s32 @!p2 $0x0  }
0x16: {  	s3 =	sld [smem:$0x3FDB];
	s0 =	simm.s32 @p2 $0x1  }
0x17: {  	s4 =	simm.s32 $0x1BF5;
	[smem:$0x3FBB] =	sst s0  }
0x18: {  	s0 =	sld [smem:$0x3F9E];
	_ =	swait.ge [sflag:s4], $0x0  }
0x19: {  	s7 =	sld [smem:$0x3F9F]  }
0x1a: {  	s8 =	sadd.s32 $0xFFFFE003, lr  }
0x1b: {  	s9 =	sadd.s32 $0xFFFFFEF7, lr;
	s5 =	simm.s32 $0xFFFFFFFF;
	p2 =	slt.u32 s8, $0xFFFFF086  }
0x1c: {  	p1 =	slt.u32 s9, $0xF7A;
	s5 =	simm.s32 @!p2 $0x0  }
0x1d: {  	s5 =	simm.s32 @p1 $0x1;
	p0 =	seq.s32 s7, s2  }
0x1e: {  	s7 =	smul.u32 @!p0 $0xF7A, s2;
	p2 =	seq.s32 @!p0 s5, $0x0  }
0x1f: {  	s9 =	smul.u32 $0xF7A, s1;
	s8 =	simm.s32 @!p0 $0x1BF5;
	p2 =	por !p2, p0  }
0x20: {  	[sflag:s8] =	ssyncset.s32 @!p0 $0xFFFFF086;
	s6 =	sadd.s32 @!p0 s3, s7;
	s7 =	simm.s32 @!p0 $0x108  }
0x21: {  	s3 =	sadd.s32 s3, s9;
	s6 =	sadd.s32 @!p0 $0x88, s6;
	s7 =	simm.s32 @p2 $0x1082  }
0x22: {  	[simem:s7], [sflag:s8] =	dma.local @!p0 [hbm:s6], $0xF7A  }
0x23: {  	s9 =	sor.u32 $0xD0000000, s2;
	s6 =	simm.s32 $0x108;
	_ =	swait.ge @!p0 [sflag:s8], $0x0  }
0x24: {  	s3 =	sadd.s32 $0x88, s3;
	s6 =	simm.s32 @!p1 $0x1082;
	[sflag:s4] =	ssyncset.s32 $0xFFFFF086  }
0x25: {  	[simem:s6], [sflag:s4] =	dma.local [hbm:s3], $0xF7A  }
0x26: {  	[smem:$0x3F9F] =	sst s1;
	(tag) =	ssettag s2;
	_ =	strace s9  }
0x27: {  	s1 =	sld [smem:$0x3FAF]  }
0x28: {  	s2 =	sld [smem:$0x3FB0]  }
0x29: {  	s4 =	sld [smem:$0x3FB2]  }
0x2a: {  	p0 =	seq.s32 s5, $0x0;
	s5 =	sld [smem:$0x3FB3]  }
0x2b: {  	s6 =	sld [smem:$0x3FB4]  }
0x2c: {  	s7 =	sld [smem:$0x3FB5]  }
0x2d: {  	s3 =	simm.s32 $0x108;
	s8 =	sld [smem:$0x3FB6]  }
0x2e: {  	s3 =	simm.s32 @!p0 $0x1082;
	s9 =	sld [smem:$0x3FB7]  }
0x2f: {  	lr =	sadd.s32 s0, s3;
	s0 =	sld [smem:$0x3FAE]  }
0x30: {  	s3 =	sld [smem:$0x3FB1]  }
0x31: {  	[smem:$0x3FBA] =	sst s10  }
0x32: {  	s10 =	sld [smem:$0x3FB8];
	_ =	sdelay $0x3  }
0x33: {  	p0 =	seq.s32 s10, $0x1;
	s10 =	sld [smem:$0x3FBA];
	_ =	sdelay $0x3  }
0x34: {  	[smem:$0x3FBA] =	sst s10  }
0x35: {  	s10 =	sld [smem:$0x3FB9];
	_ =	sdelay $0x3  }
0x36: {  	p1 =	seq.s32 s10, $0x1;
	s10 =	sld [smem:$0x3FBA];
	_ =	sdelay $0x3  }
0x37: {  	[smem:$0x3FBA] =	sst s10  }
0x38: {  	s10 =	sld [smem:$0x3FBB]  }
0x39: {  	_ = 	snop;
	(pc) =	sbr.ind lr, $3  }
0x3a: {  	_ = 	snop  }
0x3b: {  	_ = 	snop  }
0x3c: {  	p2 =	seq.s32 s10, $0x1;
	s10 =	sld [smem:$0x3FBA]  }
0x3d: {  	_ =	shalt  }
0x3e: {  	_ =	shalt  }
0x3f: {  	_ =	shalt  }
0x40: {  	_ =	shalt  }
0x41: {  	_ =	shalt  }
0x42: {  	_ =	shalt  }
0x43: {  	_ =	shalt  }
0x44: {  	_ =	shalt  }
0x45: {  	_ =	shalt  }
0x46: {  	_ =	shalt  }
0x47: {  	_ =	shalt  }
0x48: {  	_ =	shalt  }
0x49: {  	_ =	shalt  }
0x4a: {  	_ =	shalt  }
0x4b: {  	_ =	shalt  }
0x4c: {  	_ =	shalt  }
0x4d: {  	_ =	shalt  }
0x4e: {  	_ =	shalt  }
0x4f: {  	_ =	shalt  }
0x50: {  	_ =	shalt  }
0x51: {  	_ =	shalt  }
0x52: {  	_ =	shalt  }
0x53: {  	_ =	shalt  }
0x54: {  	_ =	shalt  }
0x55: {  	_ =	shalt  }
0x56: {  	_ =	shalt  }
0x57: {  	_ =	shalt  }
0x58: {  	_ =	shalt  }
0x59: {  	_ =	shalt  }
0x5a: {  	_ =	shalt  }
0x5b: {  	_ =	shalt  }
0x5c: {  	_ =	shalt  }
0x5d: {  	_ =	shalt  }
0x5e: {  	_ =	shalt  }
0x5f: {  	_ =	shalt  }
0x60: {  	_ =	shalt  }
0x61: {  	_ =	shalt  }
0x62: {  	_ =	shalt  }
0x63: {  	_ =	shalt  }
0x64: {  	_ =	shalt  }
0x65: {  	_ =	shalt  }
0x66: {  	_ =	shalt  }
0x67: {  	_ =	shalt  }
0x68: {  	_ =	shalt  }
0x69: {  	_ =	shalt  }
0x6a: {  	_ =	shalt  }
0x6b: {  	_ =	shalt  }
0x6c: {  	_ =	shalt  }
0x6d: {  	_ =	shalt  }
0x6e: {  	_ =	shalt  }
0x6f: {  	_ =	shalt  }
0x70: {  	_ =	shalt  }
0x71: {  	_ =	shalt  }
0x72: {  	_ =	shalt  }
0x73: {  	_ =	shalt  }
0x74: {  	_ =	shalt  }
0x75: {  	_ =	shalt  }
0x76: {  	_ =	shalt  }
0x77: {  	_ =	shalt  }
0x78: {  	_ =	shalt  }
0x79: {  	_ =	shalt  }
0x7a: {  	_ =	shalt  }
0x7b: {  	_ =	shalt  }
0x7c: {  	_ =	shalt  }
0x7d: {  	_ =	shalt  }
0x7e: {  	_ =	shalt  }
0x7f: {  	_ =	shalt  }
0x80: {  	_ =	shalt  }
0x81: {  	_ =	shalt  }
0x82: {  	_ =	shalt  }
0x83: {  	_ =	shalt  }
0x84: {  	_ =	shalt  }
0x85: {  	_ =	shalt  }
0x86: {  	_ =	shalt  }
0x87: {  	_ =	shalt  }
.Lfunc_end0:
.L_simem_size_0:
called_computation_lowered:
.L_overlay_start_0:
0x88: {  	s2 =	sld [smem:$0x3FD9]  }
0x89: {  	s3 =	sld [smem:$0x3FFE];
	_ =	sdelay $0x1  }
0x8a: {  	s1 =	srdreg.scid  }
0x8b: {  	s0 =	sand.u32 $0x1, s1  }
0x8c: {  	s17 =	sshll.u32 s0, $0xA;
	s2 =	sadd.s32 s3, s2  }
0x8d: {  	s2 =	sadd.s32 s2, s17  }
0x8e: {  	[smem:$0x3FC6] =	sst s2  }
0x8f: {  	_ = 	snop  }
0x90: {  	s2 =	sld [smem:$0x3FC9]  }
0x91: {  	s18 =	sld [smem:$0x3FD0];
	(tm) =	ssettm $0x1  }
0x92: {  	s4 =	sld [smem:$0x3FFB];
	_ =	sdelay $0x3  }
0x93: {  	_ =	strace s4  }
0x94: {  	s4 =	sld [smem:$0x3FFC];
	_ =	sdelay $0x3  }
0x95: {  	_ =	strace s4  }
0x96: {  	s4 =	sld [smem:$0x3FFD];
	_ =	sdelay $0x3  }
0x97: {  	_ =	strace s4  }
0x98: {  	_ =	strace $0x8FFFFFFF  }
0x99: {  	s19 =	sld [smem:$0x3FDB];
	_ =	sdelay $0x1  }
0x9a: {  	s5 =	simm.s32 $_scs_section_size  }
0x9b: {  	s6 =	simm.s32 $_size__tile_overlayer_lowered;
	s7 =	simm.s32 $_tile_overlayer_lowered  }
0x9c: {  	s22 =	simm.s32 $0x1BFF;
	s21 =	sshll.u32 s7, $0x1;
	s4 =	sadd.s32 s5, s19  }
0x9d: {  	s8 =	simm.s32 $0x0;
	s20 =	sshll.u32 s6, $0x1;
	s6 =	sadd.s32 s21, s4  }
0x9e: {  	[timem:s8], [sflag:s22] =	dma.local [hbm:s6], s20  }
0x9f: {  	_ =	swait.ge [sflag:s22], s20  }
0xa0: {  	s5 =	ssub.s32 $0x0, s20;
	[sflag:s22] =	ssyncset.done $0x0  }
0xa1: {  	[sflag:s22] =	ssyncadd.s32 s5;
	_ =	sdelay $0x1  }
0xa2: {  	s23 =	simm.s32 $0x1B8B  }
0xa3: {  	_ =	swait.ge [sflag:s23], $0x1  }
0xa4: {  	[sflag:s23] =	ssyncset.done $0x0  }
0xa5: {  	s25 =	simm.s32 $0x1B8E;
	s24 =	sld [smem:$0x3FFE];
	[sflag:s23] =	ssyncadd.s32 $0xFFFFFFFF  }
0xa6: {  	s26 =	simm.s32 $execute0_lowered;
	[smem:$0x3FD2] =	sst s25  }
0xa7: {  	s6 =	sshll.u32 s26, $0x1;
	_ =	strace $0x80000046;
	[dreg:$0x1] =	wrdreg $0xFFFFFFFF  }
0xa8: {  	s28 =	simm.s32 $_size_execute0_lowered;
	s4 =	sadd.s32 s4, s6;
	[dreg:$0x0] =	wrdreg $0x0  }
0xa9: {  	s6 =	sshll.u32 s28, $0x1;
	[dreg:$0x2] =	wrdreg s4  }
0xaa: {  	[dreg:$0x3] =	wrdreg s6  }
0xab: {  	[dreg:$0x4] =	wrdreg $0xC0  }
0xac: {  	_ =	task [dreg:s8], $0x5FFFF  }
0xad: {  	[dreg:$0x1] =	wrdreg $0xFFFFFFFF  }
0xae: {  	[dreg:$0x0] =	wrdreg $0x60  }
0xaf: {  	[dreg:$0x2] =	wrdreg s2  }
0xb0: {  	[dreg:$0x3] =	wrdreg s24  }
0xb1: {  	[dreg:$0x4] =	wrdreg s18  }
0xb2: {  	[dreg:$0x5] =	wrdreg $0x9  }
0xb3: {  	_ =	task.clear_ibuf [dreg:s8], $0x6FFFF;
	_ =	strace $0x90000046  }
0xb4: {  	s29 =	simm.s32 $0x9;
	_ =	strace $0x80000048  }
0xb5: {  	_ =	swait.ge [sflag:s29], $0x1  }
0xb6: {  	[sflag:s29] =	ssyncadd.s32 $0xFFFFFFFF  }
0xb7: {  	_ =	strace $0x90000048  }
0xb8: {  	_ =	sfence  }
0xb9: {  	s30 =	sld [smem:$0x0];
	_ =	sdelay $0x2  }
0xba: {  	s31 =	sshll.u32 s1, $0xD;
	s1 =	sshrl.u32 s1, $0x2  }
0xbb: {  	s3 =	sand.u32 $0x4000, s31;
	s1 =	sadd.s32 s1, s30  }
0xbc: {  	s0 =	sor.u32 s3, s0;
	s1 =	sshll.u32 s1, $0x11  }
0xbd: {  	s0 =	sor.u32 s1, s0  }
0xbe: {  	s0 =	sadd.s32 $0x8F2B, s0  }
0xbf: {  	[sflag:s0] =	ssyncadd.remote.s32 $0x1  }
0xc0: {  	_ =	sfence.sel $0xFFFF  }
0xc1: {  	[dreg:$0x0] =	wrdreg $0xFFFFFFFF;
	(pc) =	sbr.abs _section_cstart, $3  }
0xc2: {  	[dreg:$0x1] =	wrdreg $0xFFFFFFFF  }
0xc3: {  	_ =	task.clear_ibuf [dreg:s8], $0x2FFFF;
	_ =	strace $0x9FFFFFFF  }
0xc4: {  	(tm) =	ssettm $0x7FFFFFFF  }
0xc5: {  	_ =	shalt  }
tec
execute0_lowered:
.L_overlay_start_1:
0x0: {  	(tag) =	ssettag $0x1  }
0x1: {  	s0 =	rddreg [dreg:$0x0]  }
0x2: {  	s1 =	rddreg [dreg:$0x1]  }
0x3: {  	s2 =	rddreg [dreg:$0x2];
	s3 =	srdreg.scid  }
0x4: {  	s5 =	stileid.u32;
	s10 =	simm.s32 $0x1;
	s11 =	simm.s32 $0x80  }
0x5: {  	s12 =	simm.s32 $0x6400;
	s13 =	simm.s32 $0x8400;
	s14 =	simm.s32 $0x2  }
0x6: {  	s15 =	simm.s32 $0xA400;
	s16 =	simm.s32 $0x3;
	s17 =	simm.s32 $0xC400  }
0x7: {  	s18 =	simm.s32 $0x4;
	s19 =	simm.s32 $0x5;
	s20 =	simm.s32 $0x6  }
0x8: {  	s21 =	simm.s32 $0x7;
	s22 =	simm.s32 $0x8;
	s23 =	simm.s32 $0x9  }
0x9: {  	s24 =	simm.s32 $0x0;
	s4 =	sand.u32 $0x1, s3;
	s3 =	simm.s32 $0x0  }
0xa: {  	s5 =	sshll.u32 s5, $0xB;
	s6 =	sshll.u32 s4, $0xA;
	s7 =	ssub.s32 $0x2, s4  }
0xb: {  	[smem:$0x7FF] =	sst s3;
	s4 =	sor.u32 s6, s5;
	s30 =	sshrl.u32 s7, $0x1  }
0xc: {  	_ =	strace $0x80000047;
	s8 =	sshrl.u32 s4, $0x3;
	s31 =	ssub.s32 s7, s30  }
0xd: {  	s5 =	sadd.s32 $0x400, s1;
	s6 =	sadd.s32 s0, s8;
	s7 =	smax.u32 s31, $0x1  }
.LBB2_1:
0xe: {  	s0 =	simm.s32 $0x400;
	s1 =	simm.s32 $0x8000  }
0xf: {  	[tilespmem:s3], [sflag:$0x1] =	stream.strided.gather [hbm4b:s6+s0], $0x6400, s1, s0, $0x38;
	[tilespmem:$0x16C00] =	vst v63  }
0x10: {  	_ =	swait.ge [sflag:s10], $0x6400  }
0x11: {  	[sflag:s10] =	ssyncset.done $0x0  }
0x12: {  	[sflag:s10] =	ssyncadd.s32 $0xFFFF9C00  }
0x13: {  	v1 =	vld [tilespmem:s11+$0xFFFFFF80]  }
0x14: {  	v2 =	vld [tilespmem:s11+$0xFFFFFF90]  }
0x15: {  	v4 =	vld [tilespmem:s11+$0xFFFFFFA0]  }
0x16: {  	v8 =	vld [tilespmem:s11+$0xFFFFFFC0]  }
0x17: {  	v12 =	vld [tilespmem:s11+$0xFFFFFFE0]  }
0x18: {  	v55 =	vld [tilespmem:s11+$0x10]  }
0x19: {  	v57 =	vld [tilespmem:s11+$0x30]  }
0x1a: {  	v3 =	vshll.u32 v1, $0x1;
	v5 =	vand.u32 $0xFFFFFE00, v1  }
0x1b: {  	v0 =	vld [tilespmem:s11+$0xFFFFFFF0];
	v1 =	vshrl.u32 v1, $0x8;
	v6 =	vshll.u32 v2, $0x1;
	v9 =	vand.u32 $0xFFFFFE00, v4  }
0x1c: {  	v11 =	vshll.u32 v8, $0x1;
	v13 =	vand.u32 $0xFFFFFE00, v8;
	v8 =	vshrl.u32 v8, $0x8  }
0x1d: {  	v14 =	vand.u32 $0xFFFFFE00, v12;
	v58 =	vshll.u32 v55, $0x1;
	v15 =	vand.u32 $0xFFFFFE00, v55  }
0x1e: {  	v62 =	vshll.u32 v57, $0x1;
	v3 =	vand.u32 $0x1FE, v3;
	v1 =	vand.u32 $0x1, v1  }
0x1f: {  	v7 =	vld [tilespmem:s11+$0xFFFFFFB0];
	v6 =	vand.u32 $0x1FE, v6;
	v11 =	vand.u32 $0x1FE, v11;
	v3 =	vor.u32 v5, v3  }
0x20: {  	v8 =	vand.u32 $0x1, v8;
	v5 =	vshll.u32 v0, $0x1;
	v3 =	vor.u32 v1, v3  }
0x21: {  	v1 =	vand.u32 $0x1FE, v5;
	v5 =	vand.u32 $0xFFFFFE00, v2;
	v2 =	vshrl.u32 v2, $0x8  }
0x22: {  	v5 =	vor.u32 v5, v6;
	v2 =	vand.u32 $0x1, v2;
	v6 =	vshll.u32 v4, $0x1  }
0x23: {  	v4 =	vshrl.u32 v4, $0x8;
	v6 =	vand.u32 $0x1FE, v6;
	v2 =	vor.u32 v2, v5  }
0x24: {  	v10 =	vld [tilespmem:s11+$0xFFFFFFD0];
	v4 =	vand.u32 $0x1, v4;
	v5 =	vor.u32 v9, v6;
	v6 =	vand.u32 $0xFFFFFE00, v7  }
0x25: {  	v9 =	vshll.u32 v7, $0x1;
	v7 =	vshrl.u32 v7, $0x8;
	[tilespmem:s11+$0xFFFFFF90] =	vst v2;
	v2 =	vand.u32 $0xFFFFFE00, v57  }
0x26: {  	v9 =	vand.u32 $0x1FE, v9;
	v7 =	vand.u32 $0x1, v7;
	v4 =	vor.u32 v4, v5  }
0x27: {  	v16 =	vld [tilespmem:s11+$0x40];
	v6 =	vor.u32 v6, v9;
	v9 =	vor.u32 v13, v11;
	v11 =	vshll.u32 v12, $0x1  }
0x28: {  	v12 =	vshrl.u32 v12, $0x8;
	v13 =	vshrl.u32 v55, $0x8;
	v5 =	vor.u32 v7, v6;
	v7 =	vld [tilespmem:s11+$0x0]  }
0x29: {  	v6 =	vor.u32 v8, v9;
	v8 =	vand.u32 $0xFFFFFE00, v10;
	v9 =	vshll.u32 v10, $0x1  }
0x2a: {  	v10 =	vshrl.u32 v10, $0x8;
	v11 =	vand.u32 $0x1FE, v11;
	v9 =	vand.u32 $0x1FE, v9  }
0x2b: {  	v8 =	vor.u32 v8, v9;
	v9 =	vor.u32 v14, v11;
	v11 =	vand.u32 $0x1, v12  }
0x2c: {  	v59 =	vand.u32 $0x1, v13;
	v10 =	vand.u32 $0x1, v10;
	v9 =	vor.u32 v11, v9;
	v11 =	vld [tilespmem:s11+$0x20]  }
0x2d: {  	[tilespmem:s11+$0xFFFFFFC0] =	vst v6;
	v6 =	vshrl.u32 v16, $0x8;
	v8 =	vor.u32 v10, v8;
	v10 =	vshll.u32 v7, $0x1  }
0x2e: {  	v56 =	vand.u32 $0xFFFFFE00, v7;
	v7 =	vshrl.u32 v7, $0x8;
	v10 =	vand.u32 $0x1FE, v10  }
0x2f: {  	v14 =	vshrl.u32 v57, $0x8;
	v7 =	vand.u32 $0x1, v7;
	v10 =	vor.u32 v56, v10  }
0x30: {  	[tilespmem:s11+$0xFFFFFFA0] =	vst v4;
	v12 =	vand.u32 $0x1FE, v58;
	v4 =	vand.u32 $0x1, v14;
	v7 =	vor.u32 v7, v10  }
0x31: {  	v10 =	vor.u32 v15, v12;
	v60 =	vand.u32 $0xFFFFFE00, v11;
	v61 =	vshll.u32 v11, $0x1  }
0x32: {  	v17 =	vld [tilespmem:s11+$0x50];
	[tilespmem:s11+$0xFFFFFF80] =	vst v3;
	v11 =	vshrl.u32 v11, $0x8;
	v15 =	vand.u32 $0x1FE, v62;
	v3 =	vand.u32 $0x1FE, v61  }
0x33: {  	[tilespmem:s11+$0xFFFFFFB0] =	vst v5;
	v11 =	vand.u32 $0x1, v11;
	v2 =	vor.u32 v2, v15;
	v5 =	vor.u32 v59, v10  }
0x34: {  	v3 =	vor.u32 v60, v3;
	v2 =	vor.u32 v4, v2;
	v4 =	vshll.u32 v16, $0x1  }
0x35: {  	v10 =	vor.u32 v11, v3;
	v11 =	vld [tilespmem:s11+$0x60];
	v3 =	vand.u32 $0xFFFFFE00, v16;
	v4 =	vand.u32 $0x1FE, v4  }
0x36: {  	v6 =	vand.u32 $0x1, v6;
	[tilespmem:s11+$0xFFFFFFD0] =	vst v8;
	v3 =	vor.u32 v3, v4  }
0x37: {  	v8 =	vshll.u32 v17, $0x1;
	[tilespmem:s11+$0x10] =	vst v5;
	v5 =	vor.u32 v6, v3;
	v3 =	vld [tilespmem:s11+$0x70]  }
0x38: {  	v63 =	vshrl.u32 v17, $0x8;
	[tilespmem:s11+$0xFFFFFFE0] =	vst v9;
	v9 =	vand.u32 $0xFFFFFE00, v17;
	v8 =	vand.u32 $0x1FE, v8  }
0x39: {  	[tilespmem:s11+$0x0] =	vst v7;
	v7 =	vand.u32 $0x1, v63;
	v4 =	vor.u32 v9, v8  }
0x3a: {  	v4 =	vor.u32 v7, v4;
	v7 =	vshll.u32 v11, $0x1  }
0x3b: {  	s26 =	simm.s32 $0x0;
	s28 =	simm.s32 $0x180;
	s25 =	simm.s32 $0x80;
	[tilespmem:s11+$0x20] =	vst v10;
	v6 =	vand.u32 $0xFFFFFE00, v11;
	v8 =	vand.u32 $0x1FE, v7;
	v7 =	vshrl.u32 v11, $0x8  }
.LBB2_2:
0x3c: {  	v9 =	vld [tilespmem:s28+$0xFFFFFF80];
	[tilespmem:s25+$0x30] =	vst v2;
	v2 =	vor.u32 v6, v8;
	v6 =	vand.u32 $0x1, v7;
	v7 =	vshll.u32 v3, $0x1  }
0x3d: {  	v8 =	vld [tilespmem:s28+$0xFFFFFFF0];
	[tilespmem:s25+$0x40] =	vst v5;
	v5 =	vand.u32 $0xFFFFFE00, v3;
	v7 =	vand.u32 $0x1FE, v7;
	v3 =	vshrl.u32 v3, $0x8  }
0x3e: {  	v2 =	vor.u32 v6, v2;
	[tilespmem:s25+$0x50] =	vst v4;
	v4 =	vor.u32 v5, v7;
	v3 =	vand.u32 $0x1, v3  }
0x3f: {  	v6 =	vand.u32 $0xFFFFFE00, v0;
	v0 =	vshrl.u32 v0, $0x8;
	v5 =	vld [tilespmem:s28+$0xFFFFFF90];
	[tilespmem:s25+$0x60] =	vst v2;
	v2 =	vor.u32 v3, v4  }
0x40: {  	v1 =	vor.u32 v6, v1;
	v7 =	vand.u32 $0x1, v0;
	[tilespmem:s25+$0x70] =	vst v2  }
0x41: {  	v6 =	vor.u32 v7, v1;
	v2 =	vshll.u32 v9, $0x1;
	v3 =	vld [tilespmem:s28+$0xFFFFFFA0]  }
0x42: {  	v1 =	vand.u32 $0xFFFFFE00, v9;
	v4 =	vshrl.u32 v9, $0x8;
	v2 =	vand.u32 $0x1FE, v2;
	[tilespmem:s25+$0xFFFFFFF0] =	vst v6;
	v0 =	vmovc v8;
	s25 =	smov.u32 s28  }
0x43: {  	v1 =	vor.u32 v1, v2;
	v2 =	vand.u32 $0x1, v4;
	v4 =	vshll.u32 v0, $0x1  }
0x44: {  	v2 =	vor.u32 v2, v1;
	v6 =	vshll.u32 v5, $0x1;
	v7 =	vld [tilespmem:s28+$0xFFFFFFB0];
	v1 =	vand.u32 $0x1FE, v4  }
0x45: {  	v4 =	vand.u32 $0xFFFFFE00, v5;
	v5 =	vshrl.u32 v5, $0x8;
	v6 =	vand.u32 $0x1FE, v6;
	v8 =	vld [tilespmem:s28+$0xFFFFFFC0]  }
0x46: {  	v5 =	vand.u32 $0x1, v5;
	v4 =	vor.u32 v4, v6;
	v6 =	vshll.u32 v3, $0x1  }
0x47: {  	v9 =	vand.u32 $0xFFFFFE00, v3;
	v3 =	vshrl.u32 v3, $0x8;
	v6 =	vand.u32 $0x1FE, v6  }
0x48: {  	v4 =	vor.u32 v5, v4;
	v3 =	vand.u32 $0x1, v3;
	v5 =	vor.u32 v9, v6  }
0x49: {  	v6 =	vand.u32 $0xFFFFFE00, v7;
	v9 =	vshll.u32 v7, $0x1;
	v7 =	vshrl.u32 v7, $0x8;
	v10 =	vld [tilespmem:s28+$0xFFFFFFD0]  }
0x4a: {  	v9 =	vand.u32 $0x1FE, v9;
	v7 =	vand.u32 $0x1, v7;
	v11 =	vshll.u32 v8, $0x1;
	v12 =	vld [tilespmem:s28+$0xFFFFFFE0]  }
0x4b: {  	v13 =	vand.u32 $0xFFFFFE00, v8;
	v8 =	vshrl.u32 v8, $0x8;
	v11 =	vand.u32 $0x1FE, v11  }
0x4c: {  	v6 =	vor.u32 v6, v9;
	v8 =	vand.u32 $0x1, v8;
	v9 =	vor.u32 v13, v11  }
0x4d: {  	v3 =	vor.u32 v3, v5;
	v5 =	vor.u32 v7, v6;
	v6 =	vor.u32 v8, v9;
	v7 =	vld [tilespmem:s28+$0x0]  }
0x4e: {  	v8 =	vand.u32 $0xFFFFFE00, v10;
	v9 =	vshll.u32 v10, $0x1;
	v10 =	vshrl.u32 v10, $0x8  }
0x4f: {  	v9 =	vand.u32 $0x1FE, v9;
	v10 =	vand.u32 $0x1, v10;
	v11 =	vshll.u32 v12, $0x1;
	v13 =	vld [tilespmem:s28+$0x10]  }
0x50: {  	v14 =	vand.u32 $0xFFFFFE00, v12;
	v12 =	vshrl.u32 v12, $0x8;
	v11 =	vand.u32 $0x1FE, v11  }
0x51: {  	v8 =	vor.u32 v8, v9;
	v9 =	vor.u32 v14, v11;
	v11 =	vand.u32 $0x1, v12  }
0x52: {  	v8 =	vor.u32 v10, v8;
	v9 =	vor.u32 v11, v9;
	v10 =	vshll.u32 v7, $0x1;
	v11 =	vld [tilespmem:s28+$0x20]  }
0x53: {  	v12 =	vand.u32 $0xFFFFFE00, v7;
	v7 =	vshrl.u32 v7, $0x8;
	v10 =	vand.u32 $0x1FE, v10;
	v14 =	vld [tilespmem:s28+$0x30]  }
0x54: {  	v7 =	vand.u32 $0x1, v7;
	v10 =	vor.u32 v12, v10;
	v12 =	vshll.u32 v13, $0x1  }
0x55: {  	v15 =	vand.u32 $0xFFFFFE00, v13;
	v13 =	vshrl.u32 v13, $0x8;
	v12 =	vand.u32 $0x1FE, v12  }
0x56: {  	v7 =	vor.u32 v7, v10;
	v10 =	vor.u32 v15, v12;
	v12 =	vand.u32 $0x1, v13  }
0x57: {  	v13 =	vand.u32 $0xFFFFFE00, v11;
	v15 =	vshll.u32 v11, $0x1;
	v11 =	vshrl.u32 v11, $0x8;
	v16 =	vld [tilespmem:s28+$0x40]  }
0x58: {  	[tilespmem:s28+$0xFFFFFF80] =	vst v2;
	v2 =	vand.u32 $0x1FE, v15;
	v11 =	vand.u32 $0x1, v11;
	v15 =	vshll.u32 v14, $0x1;
	v17 =	vld [tilespmem:s28+$0x50]  }
0x59: {  	[tilespmem:s28+$0xFFFFFF90] =	vst v4;
	v4 =	vand.u32 $0xFFFFFE00, v14;
	v15 =	vand.u32 $0x1FE, v15;
	v14 =	vshrl.u32 v14, $0x8  }
0x5a: {  	v2 =	vor.u32 v13, v2;
	[tilespmem:s28+$0xFFFFFFA0] =	vst v3;
	v3 =	vor.u32 v4, v15;
	v4 =	vand.u32 $0x1, v14  }
0x5b: {  	s26 =	sadd.s32 $0x2, s26;
	[tilespmem:s28+$0xFFFFFFB0] =	vst v5;
	v5 =	vor.u32 v12, v10;
	v10 =	vor.u32 v11, v2;
	v2 =	vor.u32 v4, v3;
	v11 =	vld [tilespmem:s28+$0x60]  }
0x5c: {  	p0 =	slt.u32 s26, $0xC6;
	[tilespmem:s28+$0xFFFFFFC0] =	vst v6;
	v4 =	vand.u32 $0xFFFFFE00, v16;
	v3 =	vshll.u32 v16, $0x1;
	v6 =	vshrl.u32 v16, $0x8  }
.Ltmp0:
0x5d: {  	[tilespmem:s28+$0xFFFFFFD0] =	vst v8;
	v8 =	vand.u32 $0x1FE, v3;
	v6 =	vand.u32 $0x1, v6;
	v12 =	vshll.u32 v17, $0x1;
	v3 =	vld [tilespmem:s28+$0x70];
	(pc) =	sbr.rel @p0 .LBB2_2-.Ltmp0, $4  }
0x5e: {  	v13 =	vshrl.u32 v17, $0x8;
	[tilespmem:s28+$0xFFFFFFE0] =	vst v9;
	v9 =	vand.u32 $0xFFFFFE00, v17;
	v12 =	vand.u32 $0x1FE, v12  }
0x5f: {  	v4 =	vor.u32 v4, v8;
	v8 =	vand.u32 $0x1, v13;
	[tilespmem:s28+$0x0] =	vst v7;
	v7 =	vor.u32 v9, v12  }
0x60: {  	[tilespmem:s28+$0x10] =	vst v5;
	v5 =	vor.u32 v6, v4;
	v4 =	vor.u32 v8, v7;
	v7 =	vshll.u32 v11, $0x1  }
0x61: {  	v6 =	vand.u32 $0xFFFFFE00, v11;
	s28 =	sadd.s32 $0x100, s28;
	[tilespmem:s25+$0x20] =	vst v10;
	v8 =	vand.u32 $0x1FE, v7;
	v7 =	vshrl.u32 v11, $0x8  }
0x62: {  	v6 =	vor.u32 v6, v8;
	v56 =	vshll.u32 v3, $0x1  }
0x63: {  	[tilespmem:s25+$0x30] =	vst v2;
	v57 =	vand.u32 $0x1, v7;
	v58 =	vand.u32 $0xFFFFFE00, v3;
	v59 =	vshrl.u32 v3, $0x8  }
0x64: {  	[tilespmem:s25+$0x40] =	vst v5;
	v61 =	vand.u32 $0xFFFFFE00, v0;
	v62 =	vshrl.u32 v0, $0x8;
	v8 =	vand.u32 $0x1FE, v56  }
0x65: {  	[tilespmem:s25+$0x50] =	vst v4;
	v2 =	vor.u32 v57, v6;
	v1 =	vor.u32 v61, v1;
	v0 =	vand.u32 $0x1, v62  }
0x66: {  	v3 =	vand.u32 $0x1, v59;
	v60 =	vor.u32 v58, v8;
	[tilespmem:s25+$0x60] =	vst v2;
	v0 =	vor.u32 v0, v1  }
0x67: {  	v63 =	vor.u32 v3, v60;
	[tilespmem:s25+$0xFFFFFFF0] =	vst v0  }
0x68: {  	[tilespmem:s25+$0x70] =	vst v63;
	s25 =	simm.s32 $0x0  }
0x69: {  	[tilespmem:s12], [sflag:$0x2] =	stream.indirect.gather [hbm4b:s5+s11], $0x40, s25, s11, $0xb8;
	[tilespmem:$0x16C00] =	vst v63  }
.LBB2_4:
0x6a: {  	s0 =	sshll.u32 s25, $0x9  }
0x6b: {  	s28 =	sand.u32 $0x7E00, s0  }
0x6c: {  	s0 =	sor.u32 $0x80, s28  }
0x6d: {  	[tilespmem:s13], [sflag:$0x3] =	stream.indirect.gather [hbm4b:s5+s11], $0x40, s0, s11, $0xb8;
	[tilespmem:$0x16C00] =	vst v63  }
0x6e: {  	_ =	swait.ge [sflag:s14], $0x2000  }
0x6f: {  	p0 =	seq.s32 s25, $0x0;
	[sflag:s14] =	ssyncset.done $0x0  }
0x70: {  	s1 =	sshll.u32 s25, $0x14;
	s0 =	simm.s32 @!p0 $0x6;
	[sflag:s14] =	ssyncadd.s32 $0xFFFFE000  }
0x71: {  	s1 =	sor.u32 s4, s1;
	_ =	swait.ge @!p0 [sflag:s0], $0x2000  }
0x72: {  	s29 =	sshrl.u32 s1, $0x3;
	[sflag:s0] =	ssyncset.done @!p0 $0x0  }
0x73: {  	s26 =	simm.s32 $0xE400;
	s31 =	sadd.s32 s2, s29;
	[sflag:s0] =	ssyncadd.s32 @!p0 $0xFFFFE000  }
0x74: {  	[hbm4b:s31+s3] =	stream.linear.scatter [tilespmem:s26], [sflag:$0x6], $0x80, $0x38;
	[tilespmem:$0x16C00] =	vst v63  }
0x75: {  	s1 =	simm.s32 $0xE488;
	s8 =	sadd.s32 $0x10, s31  }
0x76: {  	[hbm4b:s8+s3] =	stream.linear.scatter [tilespmem:s1], [sflag:$0x6], $0x80, $0x38;
	[tilespmem:$0x16C00] =	vst v63  }
0x77: {  	s9 =	simm.s32 $0xE510;
	s26 =	sadd.s32 $0x20, s31  }
0x78: {  	[hbm4b:s26+s3] =	stream.linear.scatter [tilespmem:s9], [sflag:$0x6], $0x80, $0x38;
	[tilespmem:$0x16C00] =	vst v63  }
0x79: {  	s1 =	simm.s32 $0xE598;
	s8 =	sadd.s32 $0x30, s31  }
0x7a: {  	[hbm4b:s8+s3] =	stream.linear.scatter [tilespmem:s1], [sflag:$0x6], $0x80, $0x38;
	[tilespmem:$0x16C00] =	vst v63  }
0x7b: {  	s30 =	simm.s32 $0x440;
	s9 =	simm.s32 $0xE620;
	s26 =	sadd.s32 $0x40, s31  }
0x7c: {  	[hbm4b:s26+s3] =	stream.linear.scatter [tilespmem:s9], [sflag:$0x6], $0x80, $0x38;
	[tilespmem:$0x16C00] =	vst v63  }
0x7d: {  	s0 =	simm.s32 $0x2200;
	s1 =	simm.s32 $0xE6A8;
	s8 =	sadd.s32 $0x50, s31  }
0x7e: {  	[hbm4b:s8+s3] =	stream.linear.scatter [tilespmem:s1], [sflag:$0x6], $0x80, $0x38;
	[tilespmem:$0x16C00] =	vst v63  }
0x7f: {  	s9 =	simm.s32 $0xE730;
	s26 =	sadd.s32 $0x60, s31;
	s1 =	simm.s32 $0xE7B8  }
0x80: {  	[hbm4b:s26+s3] =	stream.linear.scatter [tilespmem:s9], [sflag:$0x6], $0x80, $0x38;
	[tilespmem:$0x16C00] =	vst v63  }
0x81: {  	s8 =	sadd.s32 $0x70, s31;
	s31 =	sadd.s32 $0x1000, s31;
	s26 =	sshll.u32 s25, $0x2  }
.LBB2_5:
0x82: {  	[hbm4b:s8+s3] =	stream.linear.scatter [tilespmem:s1], [sflag:$0x6], $0x80, $0x38;
	[tilespmem:$0x16C00] =	vst v63  }
0x83: {  	s1 =	smov.u32 s30;
	s8 =	smov.u32 s0  }
0x84: {  	s9 =	sadd.s32 $0x1100, s0;
	s30 =	sshra.s32 s8, $0x2;
	s8 =	sadd.s32 $0xE400, s1  }
0x85: {  	[hbm4b:s31+s3] =	stream.linear.scatter [tilespmem:s8], [sflag:$0x6], $0x80, $0x38;
	[tilespmem:$0x16C00] =	vst v63  }
0x86: {  	p1 =	sne.s32 s0, $0x7700;
	s0 =	sadd.s32 $0xE488, s1;
	s8 =	sadd.s32 $0x10, s31  }
0x87: {  	[hbm4b:s8+s3] =	stream.linear.scatter [tilespmem:s0], [sflag:$0x6], $0x80, $0x38;
	[tilespmem:$0x16C00] =	vst v63  }
0x88: {  	s0 =	sadd.s32 $0xE510, s1;
	s8 =	sadd.s32 $0x20, s31  }
0x89: {  	[hbm4b:s8+s3] =	stream.linear.scatter [tilespmem:s0], [sflag:$0x6], $0x80, $0x38;
	[tilespmem:$0x16C00] =	vst v63  }
0x8a: {  	s0 =	sadd.s32 $0xE598, s1;
	s8 =	sadd.s32 $0x30, s31  }
0x8b: {  	[hbm4b:s8+s3] =	stream.linear.scatter [tilespmem:s0], [sflag:$0x6], $0x80, $0x38;
	[tilespmem:$0x16C00] =	vst v63  }
0x8c: {  	s0 =	sadd.s32 $0xE620, s1;
	s8 =	sadd.s32 $0x40, s31  }
0x8d: {  	[hbm4b:s8+s3] =	stream.linear.scatter [tilespmem:s0], [sflag:$0x6], $0x80, $0x38;
	[tilespmem:$0x16C00] =	vst v63  }
.Ltmp1:
0x8e: {  	s0 =	sadd.s32 $0xE6A8, s1;
	s8 =	sadd.s32 $0x50, s31;
	(pc) =	sbr.rel @p1 .LBB2_5-.Ltmp1, $4  }
0x8f: {  	[hbm4b:s8+s3] =	stream.linear.scatter [tilespmem:s0], [sflag:$0x6], $0x80, $0x38;
	[tilespmem:$0x16C00] =	vst v63  }
0x90: {  	s0 =	sadd.s32 $0xE730, s1;
	s8 =	sadd.s32 $0x60, s31;
	s1 =	sadd.s32 $0xE7B8, s1  }
0x91: {  	[hbm4b:s8+s3] =	stream.linear.scatter [tilespmem:s0], [sflag:$0x6], $0x80, $0x38;
	[tilespmem:$0x16C00] =	vst v63  }
0x92: {  	s8 =	sadd.s32 $0x70, s31;
	s31 =	sadd.s32 $0x1000, s31;
	s0 =	smov.u32 s9  }
0x93: {  	[hbm4b:s8+s3] =	stream.linear.scatter [tilespmem:s1], [sflag:$0x6], $0x80, $0x38;
	[tilespmem:$0x16C00] =	vst v63  }
0x94: {  	s0 =	sadd.s32 $0xE400, s30  }
0x95: {  	[hbm4b:s31+s3] =	stream.linear.scatter [tilespmem:s0], [sflag:$0x6], $0x80, $0x38;
	[tilespmem:$0x16C00] =	vst v63  }
0x96: {  	s8 =	sadd.s32 $0xE488, s30;
	s9 =	sadd.s32 $0x10, s31  }
0x97: {  	[hbm4b:s9+s3] =	stream.linear.scatter [tilespmem:s8], [sflag:$0x6], $0x80, $0x38;
	[tilespmem:$0x16C00] =	vst v63  }
0x98: {  	s8 =	sadd.s32 $0xE510, s30;
	s9 =	sadd.s32 $0x20, s31  }
0x99: {  	[hbm4b:s9+s3] =	stream.linear.scatter [tilespmem:s8], [sflag:$0x6], $0x80, $0x38;
	[tilespmem:$0x16C00] =	vst v63  }
0x9a: {  	s8 =	sadd.s32 $0xE598, s30;
	s9 =	sadd.s32 $0x30, s31  }
0x9b: {  	[hbm4b:s9+s3] =	stream.linear.scatter [tilespmem:s8], [sflag:$0x6], $0x80, $0x38;
	[tilespmem:$0x16C00] =	vst v63  }
0x9c: {  	s8 =	sadd.s32 $0xE620, s30;
	s9 =	sadd.s32 $0x40, s31  }
0x9d: {  	[hbm4b:s9+s3] =	stream.linear.scatter [tilespmem:s8], [sflag:$0x6], $0x80, $0x38;
	[tilespmem:$0x16C00] =	vst v63  }
0x9e: {  	s8 =	sadd.s32 $0xE6A8, s30;
	s9 =	sadd.s32 $0x50, s31  }
0x9f: {  	[hbm4b:s9+s3] =	stream.linear.scatter [tilespmem:s8], [sflag:$0x6], $0x80, $0x38;
	[tilespmem:$0x16C00] =	vst v63  }
0xa0: {  	s8 =	sadd.s32 $0xE730, s30;
	s9 =	sadd.s32 $0x60, s31  }
0xa1: {  	[hbm4b:s9+s3] =	stream.linear.scatter [tilespmem:s8], [sflag:$0x6], $0x80, $0x38;
	[tilespmem:$0x16C00] =	vst v63  }
0xa2: {  	s8 =	sadd.s32 $0xE7B8, s30;
	s9 =	sadd.s32 $0x70, s31  }
0xa3: {  	[hbm4b:s9+s3] =	stream.linear.scatter [tilespmem:s8], [sflag:$0x6], $0x80, $0x38;
	[tilespmem:$0x16C00] =	vst v63  }
0xa4: {  	s1 =	sadd.s32 $0x100, s28  }
0xa5: {  	[tilespmem:s15], [sflag:$0x4] =	stream.indirect.gather [hbm4b:s5+s11], $0x40, s1, s11, $0xb8;
	[tilespmem:$0x16C00] =	vst v63  }
0xa6: {  	_ =	swait.ge [sflag:s16], $0x2000  }
0xa7: {  	[sflag:s16] =	ssyncset.done $0x0  }
0xa8: {  	s0 =	simm.s32 @!p0 $0x7;
	[sflag:s16] =	ssyncadd.s32 $0xFFFFE000  }
0xa9: {  	_ =	swait.ge @!p0 [sflag:s0], $0x2000  }
0xaa: {  	s29 =	sadd.s32 s29, s2;
	[sflag:s0] =	ssyncset.done @!p0 $0x0  }
0xab: {  	s9 =	sadd.s32 $0x8000, s29;
	s8 =	simm.s32 $0x10600;
	[sflag:s0] =	ssyncadd.s32 @!p0 $0xFFFFE000  }
0xac: {  	[hbm4b:s9+s3] =	stream.linear.scatter [tilespmem:s8], [sflag:$0x7], $0x80, $0x38;
	[tilespmem:$0x16C00] =	vst v63  }
0xad: {  	s1 =	simm.s32 $0x10688;
	s8 =	sadd.s32 $0x10, s9  }
0xae: {  	[hbm4b:s8+s3] =	stream.linear.scatter [tilespmem:s1], [sflag:$0x7], $0x80, $0x38;
	[tilespmem:$0x16C00] =	vst v63  }
0xaf: {  	s1 =	simm.s32 $0x10710;
	s8 =	sadd.s32 $0x20, s9  }
0xb0: {  	[hbm4b:s8+s3] =	stream.linear.scatter [tilespmem:s1], [sflag:$0x7], $0x80, $0x38;
	[tilespmem:$0x16C00] =	vst v63  }
0xb1: {  	s1 =	simm.s32 $0x10798;
	s8 =	sadd.s32 $0x30, s9  }
0xb2: {  	[hbm4b:s8+s3] =	stream.linear.scatter [tilespmem:s1], [sflag:$0x7], $0x80, $0x38;
	[tilespmem:$0x16C00] =	vst v63  }
0xb3: {  	s1 =	simm.s32 $0x10820;
	s8 =	sadd.s32 $0x40, s9  }
0xb4: {  	[hbm4b:s8+s3] =	stream.linear.scatter [tilespmem:s1], [sflag:$0x7], $0x80, $0x38;
	[tilespmem:$0x16C00] =	vst v63  }
0xb5: {  	s30 =	simm.s32 $0x440;
	s1 =	simm.s32 $0x108A8;
	s8 =	sadd.s32 $0x50, s9  }
0xb6: {  	[hbm4b:s8+s3] =	stream.linear.scatter [tilespmem:s1], [sflag:$0x7], $0x80, $0x38;
	[tilespmem:$0x16C00] =	vst v63  }
0xb7: {  	s31 =	sadd.s32 $0x1000, s9;
	s1 =	simm.s32 $0x10930;
	s8 =	sadd.s32 $0x60, s9  }
0xb8: {  	[hbm4b:s8+s3] =	stream.linear.scatter [tilespmem:s1], [sflag:$0x7], $0x80, $0x38;
	[tilespmem:$0x16C00] =	vst v63  }
0xb9: {  	s0 =	simm.s32 $0x2200;
	s1 =	simm.s32 $0x109B8;
	s8 =	sadd.s32 $0x70, s9  }
.LBB2_7:
0xba: {  	[hbm4b:s8+s3] =	stream.linear.scatter [tilespmem:s1], [sflag:$0x7], $0x80, $0x38;
	[tilespmem:$0x16C00] =	vst v63  }
0xbb: {  	s1 =	smov.u32 s30;
	s8 =	smov.u32 s0  }
0xbc: {  	s9 =	sadd.s32 $0x1100, s0;
	s30 =	sshra.s32 s8, $0x2;
	s8 =	sadd.s32 $0x10600, s1  }
0xbd: {  	[hbm4b:s31+s3] =	stream.linear.scatter [tilespmem:s8], [sflag:$0x7], $0x80, $0x38;
	[tilespmem:$0x16C00] =	vst v63  }
0xbe: {  	p1 =	sne.s32 s0, $0x7700;
	s0 =	sadd.s32 $0x10688, s1;
	s8 =	sadd.s32 $0x10, s31  }
0xbf: {  	[hbm4b:s8+s3] =	stream.linear.scatter [tilespmem:s0], [sflag:$0x7], $0x80, $0x38;
	[tilespmem:$0x16C00] =	vst v63  }
0xc0: {  	s0 =	sadd.s32 $0x10710, s1;
	s8 =	sadd.s32 $0x20, s31  }
0xc1: {  	[hbm4b:s8+s3] =	stream.linear.scatter [tilespmem:s0], [sflag:$0x7], $0x80, $0x38;
	[tilespmem:$0x16C00] =	vst v63  }
0xc2: {  	s0 =	sadd.s32 $0x10798, s1;
	s8 =	sadd.s32 $0x30, s31  }
0xc3: {  	[hbm4b:s8+s3] =	stream.linear.scatter [tilespmem:s0], [sflag:$0x7], $0x80, $0x38;
	[tilespmem:$0x16C00] =	vst v63  }
0xc4: {  	s0 =	sadd.s32 $0x10820, s1;
	s8 =	sadd.s32 $0x40, s31  }
0xc5: {  	[hbm4b:s8+s3] =	stream.linear.scatter [tilespmem:s0], [sflag:$0x7], $0x80, $0x38;
	[tilespmem:$0x16C00] =	vst v63  }
.Ltmp2:
0xc6: {  	s0 =	sadd.s32 $0x108A8, s1;
	s8 =	sadd.s32 $0x50, s31;
	(pc) =	sbr.rel @p1 .LBB2_7-.Ltmp2, $4  }
0xc7: {  	[hbm4b:s8+s3] =	stream.linear.scatter [tilespmem:s0], [sflag:$0x7], $0x80, $0x38;
	[tilespmem:$0x16C00] =	vst v63  }
0xc8: {  	s0 =	sadd.s32 $0x10930, s1;
	s8 =	sadd.s32 $0x60, s31;
	s1 =	sadd.s32 $0x109B8, s1  }
0xc9: {  	[hbm4b:s8+s3] =	stream.linear.scatter [tilespmem:s0], [sflag:$0x7], $0x80, $0x38;
	[tilespmem:$0x16C00] =	vst v63  }
0xca: {  	s8 =	sadd.s32 $0x70, s31;
	s31 =	sadd.s32 $0x1000, s31;
	s0 =	smov.u32 s9  }
0xcb: {  	[hbm4b:s8+s3] =	stream.linear.scatter [tilespmem:s1], [sflag:$0x7], $0x80, $0x38;
	[tilespmem:$0x16C00] =	vst v63  }
0xcc: {  	s0 =	sadd.s32 $0x10600, s30  }
0xcd: {  	[hbm4b:s31+s3] =	stream.linear.scatter [tilespmem:s0], [sflag:$0x7], $0x80, $0x38;
	[tilespmem:$0x16C00] =	vst v63  }
0xce: {  	s8 =	sadd.s32 $0x10688, s30;
	s9 =	sadd.s32 $0x10, s31  }
0xcf: {  	[hbm4b:s9+s3] =	stream.linear.scatter [tilespmem:s8], [sflag:$0x7], $0x80, $0x38;
	[tilespmem:$0x16C00] =	vst v63  }
0xd0: {  	s8 =	sadd.s32 $0x10710, s30;
	s9 =	sadd.s32 $0x20, s31  }
0xd1: {  	[hbm4b:s9+s3] =	stream.linear.scatter [tilespmem:s8], [sflag:$0x7], $0x80, $0x38;
	[tilespmem:$0x16C00] =	vst v63  }
0xd2: {  	s8 =	sadd.s32 $0x10798, s30;
	s9 =	sadd.s32 $0x30, s31  }
0xd3: {  	[hbm4b:s9+s3] =	stream.linear.scatter [tilespmem:s8], [sflag:$0x7], $0x80, $0x38;
	[tilespmem:$0x16C00] =	vst v63  }
0xd4: {  	s8 =	sadd.s32 $0x10820, s30;
	s9 =	sadd.s32 $0x40, s31  }
0xd5: {  	[hbm4b:s9+s3] =	stream.linear.scatter [tilespmem:s8], [sflag:$0x7], $0x80, $0x38;
	[tilespmem:$0x16C00] =	vst v63  }
0xd6: {  	s8 =	sadd.s32 $0x108A8, s30;
	s9 =	sadd.s32 $0x50, s31  }
0xd7: {  	[hbm4b:s9+s3] =	stream.linear.scatter [tilespmem:s8], [sflag:$0x7], $0x80, $0x38;
	[tilespmem:$0x16C00] =	vst v63  }
0xd8: {  	s8 =	sadd.s32 $0x10930, s30;
	s9 =	sadd.s32 $0x60, s31  }
0xd9: {  	[hbm4b:s9+s3] =	stream.linear.scatter [tilespmem:s8], [sflag:$0x7], $0x80, $0x38;
	[tilespmem:$0x16C00] =	vst v63  }
0xda: {  	s8 =	sadd.s32 $0x109B8, s30;
	s9 =	sadd.s32 $0x70, s31  }
0xdb: {  	[hbm4b:s9+s3] =	stream.linear.scatter [tilespmem:s8], [sflag:$0x7], $0x80, $0x38;
	[tilespmem:$0x16C00] =	vst v63  }
0xdc: {  	s30 =	sadd.s32 $0x180, s28  }
0xdd: {  	[tilespmem:s17], [sflag:$0x5] =	stream.indirect.gather [hbm4b:s5+s11], $0x40, s30, s11, $0xb8;
	[tilespmem:$0x16C00] =	vst v63  }
0xde: {  	_ =	swait.ge [sflag:s18], $0x2000  }
0xdf: {  	[sflag:s18] =	ssyncset.done $0x0  }
0xe0: {  	s0 =	simm.s32 @!p0 $0x8;
	[sflag:s18] =	ssyncadd.s32 $0xFFFFE000  }
0xe1: {  	_ =	swait.ge @!p0 [sflag:s0], $0x2000  }
0xe2: {  	[sflag:s0] =	ssyncset.done @!p0 $0x0  }
0xe3: {  	s31 =	simm.s32 $0x12800;
	s9 =	sadd.s32 $0x10000, s29;
	[sflag:s0] =	ssyncadd.s32 @!p0 $0xFFFFE000  }
0xe4: {  	[hbm4b:s9+s3] =	stream.linear.scatter [tilespmem:s31], [sflag:$0x8], $0x80, $0x38;
	[tilespmem:$0x16C00] =	vst v63  }
0xe5: {  	s1 =	simm.s32 $0x12888;
	s8 =	sadd.s32 $0x10, s9  }
0xe6: {  	[hbm4b:s8+s3] =	stream.linear.scatter [tilespmem:s1], [sflag:$0x8], $0x80, $0x38;
	[tilespmem:$0x16C00] =	vst v63  }
0xe7: {  	s28 =	simm.s32 $0x440;
	s30 =	simm.s32 $0x12910;
	s31 =	sadd.s32 $0x20, s9  }
0xe8: {  	[hbm4b:s31+s3] =	stream.linear.scatter [tilespmem:s30], [sflag:$0x8], $0x80, $0x38;
	[tilespmem:$0x16C00] =	vst v63  }
0xe9: {  	s29 =	sadd.s32 $0x1000, s9;
	s1 =	simm.s32 $0x12998;
	s8 =	sadd.s32 $0x30, s9  }
0xea: {  	[hbm4b:s8+s3] =	stream.linear.scatter [tilespmem:s1], [sflag:$0x8], $0x80, $0x38;
	[tilespmem:$0x16C00] =	vst v63  }
0xeb: {  	s0 =	simm.s32 $0x2200;
	s30 =	simm.s32 $0x12A20;
	s31 =	sadd.s32 $0x40, s9  }
0xec: {  	[hbm4b:s31+s3] =	stream.linear.scatter [tilespmem:s30], [sflag:$0x8], $0x80, $0x38;
	[tilespmem:$0x16C00] =	vst v63  }
0xed: {  	s1 =	simm.s32 $0x12AA8;
	s8 =	sadd.s32 $0x50, s9;
	s30 =	simm.s32 $0x12B30  }
0xee: {  	[hbm4b:s8+s3] =	stream.linear.scatter [tilespmem:s1], [sflag:$0x8], $0x80, $0x38;
	[tilespmem:$0x16C00] =	vst v63  }
0xef: {  	s31 =	sadd.s32 $0x60, s9;
	s1 =	simm.s32 $0x12BB8;
	s8 =	sadd.s32 $0x70, s9  }
0xf0: {  	[hbm4b:s31+s3] =	stream.linear.scatter [tilespmem:s30], [sflag:$0x8], $0x80, $0x38;
	[tilespmem:$0x16C00] =	vst v63  }
.LBB2_9:
0xf1: {  	[hbm4b:s8+s3] =	stream.linear.scatter [tilespmem:s1], [sflag:$0x8], $0x80, $0x38;
	[tilespmem:$0x16C00] =	vst v63  }
0xf2: {  	s1 =	smov.u32 s28;
	s8 =	smov.u32 s0  }
0xf3: {  	s9 =	sadd.s32 $0x1100, s0;
	s28 =	sshra.s32 s8, $0x2;
	s8 =	sadd.s32 $0x12800, s1  }
0xf4: {  	[hbm4b:s29+s3] =	stream.linear.scatter [tilespmem:s8], [sflag:$0x8], $0x80, $0x38;
	[tilespmem:$0x16C00] =	vst v63  }
0xf5: {  	p1 =	sne.s32 s0, $0x7700;
	s0 =	sadd.s32 $0x12888, s1;
	s8 =	sadd.s32 $0x10, s29  }
0xf6: {  	[hbm4b:s8+s3] =	stream.linear.scatter [tilespmem:s0], [sflag:$0x8], $0x80, $0x38;
	[tilespmem:$0x16C00] =	vst v63  }
0xf7: {  	s0 =	sadd.s32 $0x12910, s1;
	s8 =	sadd.s32 $0x20, s29  }
0xf8: {  	[hbm4b:s8+s3] =	stream.linear.scatter [tilespmem:s0], [sflag:$0x8], $0x80, $0x38;
	[tilespmem:$0x16C00] =	vst v63  }
0xf9: {  	s0 =	sadd.s32 $0x12998, s1;
	s8 =	sadd.s32 $0x30, s29  }
0xfa: {  	[hbm4b:s8+s3] =	stream.linear.scatter [tilespmem:s0], [sflag:$0x8], $0x80, $0x38;
	[tilespmem:$0x16C00] =	vst v63  }
0xfb: {  	s0 =	sadd.s32 $0x12A20, s1;
	s8 =	sadd.s32 $0x40, s29  }
0xfc: {  	[hbm4b:s8+s3] =	stream.linear.scatter [tilespmem:s0], [sflag:$0x8], $0x80, $0x38;
	[tilespmem:$0x16C00] =	vst v63  }
.Ltmp3:
0xfd: {  	s0 =	sadd.s32 $0x12AA8, s1;
	s8 =	sadd.s32 $0x50, s29;
	(pc) =	sbr.rel @p1 .LBB2_9-.Ltmp3, $4  }
0xfe: {  	[hbm4b:s8+s3] =	stream.linear.scatter [tilespmem:s0], [sflag:$0x8], $0x80, $0x38;
	[tilespmem:$0x16C00] =	vst v63  }
0xff: {  	s0 =	sadd.s32 $0x12B30, s1;
	s8 =	sadd.s32 $0x60, s29;
	s1 =	sadd.s32 $0x12BB8, s1  }
0x100: {  	[hbm4b:s8+s3] =	stream.linear.scatter [tilespmem:s0], [sflag:$0x8], $0x80, $0x38;
	[tilespmem:$0x16C00] =	vst v63  }
0x101: {  	s8 =	sadd.s32 $0x70, s29;
	s29 =	sadd.s32 $0x1000, s29;
	s0 =	smov.u32 s9  }
0x102: {  	[hbm4b:s8+s3] =	stream.linear.scatter [tilespmem:s1], [sflag:$0x8], $0x80, $0x38;
	[tilespmem:$0x16C00] =	vst v63  }
0x103: {  	s0 =	sadd.s32 $0x12800, s28  }
0x104: {  	[hbm4b:s29+s3] =	stream.linear.scatter [tilespmem:s0], [sflag:$0x8], $0x80, $0x38;
	[tilespmem:$0x16C00] =	vst v63  }
0x105: {  	s30 =	sadd.s32 $0x12888, s28;
	s31 =	sadd.s32 $0x10, s29  }
0x106: {  	[hbm4b:s31+s3] =	stream.linear.scatter [tilespmem:s30], [sflag:$0x8], $0x80, $0x38;
	[tilespmem:$0x16C00] =	vst v63  }
0x107: {  	s8 =	sadd.s32 $0x12910, s28;
	s9 =	sadd.s32 $0x20, s29  }
0x108: {  	[hbm4b:s9+s3] =	stream.linear.scatter [tilespmem:s8], [sflag:$0x8], $0x80, $0x38;
	[tilespmem:$0x16C00] =	vst v63  }
0x109: {  	s30 =	sadd.s32 $0x12998, s28;
	s31 =	sadd.s32 $0x30, s29  }
0x10a: {  	[hbm4b:s31+s3] =	stream.linear.scatter [tilespmem:s30], [sflag:$0x8], $0x80, $0x38;
	[tilespmem:$0x16C00] =	vst v63  }
0x10b: {  	s8 =	sadd.s32 $0x12A20, s28;
	s9 =	sadd.s32 $0x40, s29  }
0x10c: {  	[hbm4b:s9+s3] =	stream.linear.scatter [tilespmem:s8], [sflag:$0x8], $0x80, $0x38;
	[tilespmem:$0x16C00] =	vst v63  }
0x10d: {  	s30 =	sadd.s32 $0x12AA8, s28;
	s31 =	sadd.s32 $0x50, s29  }
0x10e: {  	[hbm4b:s31+s3] =	stream.linear.scatter [tilespmem:s30], [sflag:$0x8], $0x80, $0x38;
	[tilespmem:$0x16C00] =	vst v63  }
0x10f: {  	s30 =	sor.u32 $0x3, s26  }
0x110: {  	s1 =	sadd.s32 $0x12B30, s28;
	s8 =	sadd.s32 $0x60, s29;
	p1 =	sgt.u32 s30, $0xC6  }
0x111: {  	[hbm4b:s8+s3] =	stream.linear.scatter [tilespmem:s1], [sflag:$0x8], $0x80, $0x38;
	[tilespmem:$0x16C00] =	vst v63  }
0x112: {  	s1 =	sshll.u32 @!p1 s26, $0x7  }
0x113: {  	s9 =	sadd.s32 $0x12BB8, s28;
	s29 =	sadd.s32 $0x70, s29;
	s1 =	sadd.s32 @!p1 $0x200, s1  }
0x114: {  	[hbm4b:s29+s3] =	stream.linear.scatter [tilespmem:s9], [sflag:$0x8], $0x80, $0x38;
	[tilespmem:$0x16C00] =	vst v63  }
0x115: {  	s8 =	simm.s32 @!p1 $0x80;
	s1 =	sand.u32 @!p1 $0xFE00, s1;
	s9 =	simm.s32 @!p1 $0x6400  }
0x116: {  	[tilespmem:s9], [sflag:$0x2] =	stream.indirect.gather @!p1 [hbm4b:s5+s8], $0x40, s1, s8, $0xb8;
	[tilespmem:$0x16C00] =	vst v63  }
0x117: {  	_ =	swait.ge [sflag:s19], $0x2000  }
0x118: {  	[sflag:s19] =	ssyncset.done $0x0  }
0x119: {  	s0 =	sshll.u32 s30, $0x12;
	s1 =	simm.s32 @!p0 $0x9;
	[sflag:s19] =	ssyncadd.s32 $0xFFFFE000  }
0x11a: {  	s0 =	sor.u32 s4, s0;
	_ =	swait.ge @!p0 [sflag:s1], $0x2000  }
0x11b: {  	s0 =	sshrl.u32 s0, $0x3;
	[sflag:s1] =	ssyncset.done @!p0 $0x0  }
0x11c: {  	s31 =	simm.s32 $0x14A00;
	s9 =	sadd.s32 s2, s0;
	[sflag:s1] =	ssyncadd.s32 @!p0 $0xFFFFE000  }
0x11d: {  	[hbm4b:s9+s3] =	stream.linear.scatter [tilespmem:s31], [sflag:$0x9], $0x80, $0x38;
	[tilespmem:$0x16C00] =	vst v63  }
0x11e: {  	s8 =	sadd.s32 $0x10, s9;
	s1 =	simm.s32 $0x14A88  }
0x11f: {  	[hbm4b:s8+s3] =	stream.linear.scatter [tilespmem:s1], [sflag:$0x9], $0x80, $0x38;
	[tilespmem:$0x16C00] =	vst v63  }
0x120: {  	s30 =	simm.s32 $0x14B98;
	s26 =	simm.s32 $0x14B10;
	s29 =	sadd.s32 $0x20, s9  }
0x121: {  	[hbm4b:s29+s3] =	stream.linear.scatter [tilespmem:s26], [sflag:$0x9], $0x80, $0x38;
	[tilespmem:$0x16C00] =	vst v63  }
0x122: {  	s0 =	simm.s32 $0x2200;
	s28 =	sadd.s32 $0x1000, s9;
	s31 =	sadd.s32 $0x30, s9  }
0x123: {  	[hbm4b:s31+s3] =	stream.linear.scatter [tilespmem:s30], [sflag:$0x9], $0x80, $0x38;
	[tilespmem:$0x16C00] =	vst v63  }
0x124: {  	s1 =	simm.s32 $0x14C20;
	s8 =	sadd.s32 $0x40, s9;
	s26 =	simm.s32 $0x14CA8  }
0x125: {  	[hbm4b:s8+s3] =	stream.linear.scatter [tilespmem:s1], [sflag:$0x9], $0x80, $0x38;
	[tilespmem:$0x16C00] =	vst v63  }
0x126: {  	s29 =	sadd.s32 $0x50, s9;
	s30 =	simm.s32 $0x14D30;
	s31 =	sadd.s32 $0x60, s9  }
0x127: {  	[hbm4b:s29+s3] =	stream.linear.scatter [tilespmem:s26], [sflag:$0x9], $0x80, $0x38;
	[tilespmem:$0x16C00] =	vst v63  }
0x128: {  	s1 =	simm.s32 $0x14DB8;
	s8 =	sadd.s32 $0x70, s9;
	s26 =	simm.s32 $0x440  }
0x129: {  	[hbm4b:s31+s3] =	stream.linear.scatter [tilespmem:s30], [sflag:$0x9], $0x80, $0x38;
	[tilespmem:$0x16C00] =	vst v63  }
.LBB2_11:
0x12a: {  	[hbm4b:s8+s3] =	stream.linear.scatter [tilespmem:s1], [sflag:$0x9], $0x80, $0x38;
	[tilespmem:$0x16C00] =	vst v63  }
0x12b: {  	s1 =	smov.u32 s26;
	s8 =	smov.u32 s0  }
0x12c: {  	s9 =	sadd.s32 $0x1100, s0;
	s26 =	sshra.s32 s8, $0x2;
	s8 =	sadd.s32 $0x14A00, s1  }
0x12d: {  	[hbm4b:s28+s3] =	stream.linear.scatter [tilespmem:s8], [sflag:$0x9], $0x80, $0x38;
	[tilespmem:$0x16C00] =	vst v63  }
0x12e: {  	p0 =	sne.s32 s0, $0x7700;
	s0 =	sadd.s32 $0x14A88, s1;
	s8 =	sadd.s32 $0x10, s28  }
0x12f: {  	[hbm4b:s8+s3] =	stream.linear.scatter [tilespmem:s0], [sflag:$0x9], $0x80, $0x38;
	[tilespmem:$0x16C00] =	vst v63  }
0x130: {  	s0 =	sadd.s32 $0x14B10, s1;
	s8 =	sadd.s32 $0x20, s28  }
0x131: {  	[hbm4b:s8+s3] =	stream.linear.scatter [tilespmem:s0], [sflag:$0x9], $0x80, $0x38;
	[tilespmem:$0x16C00] =	vst v63  }
0x132: {  	s0 =	sadd.s32 $0x14B98, s1;
	s8 =	sadd.s32 $0x30, s28  }
0x133: {  	[hbm4b:s8+s3] =	stream.linear.scatter [tilespmem:s0], [sflag:$0x9], $0x80, $0x38;
	[tilespmem:$0x16C00] =	vst v63  }
0x134: {  	s0 =	sadd.s32 $0x14C20, s1;
	s8 =	sadd.s32 $0x40, s28  }
0x135: {  	[hbm4b:s8+s3] =	stream.linear.scatter [tilespmem:s0], [sflag:$0x9], $0x80, $0x38;
	[tilespmem:$0x16C00] =	vst v63  }
.Ltmp4:
0x136: {  	s0 =	sadd.s32 $0x14CA8, s1;
	s8 =	sadd.s32 $0x50, s28;
	(pc) =	sbr.rel @p0 .LBB2_11-.Ltmp4, $4  }
0x137: {  	[hbm4b:s8+s3] =	stream.linear.scatter [tilespmem:s0], [sflag:$0x9], $0x80, $0x38;
	[tilespmem:$0x16C00] =	vst v63  }
0x138: {  	s0 =	sadd.s32 $0x14D30, s1;
	s8 =	sadd.s32 $0x60, s28;
	s1 =	sadd.s32 $0x14DB8, s1  }
0x139: {  	[hbm4b:s8+s3] =	stream.linear.scatter [tilespmem:s0], [sflag:$0x9], $0x80, $0x38;
	[tilespmem:$0x16C00] =	vst v63  }
0x13a: {  	s8 =	sadd.s32 $0x70, s28;
	s28 =	sadd.s32 $0x1000, s28;
	s0 =	smov.u32 s9  }
0x13b: {  	[hbm4b:s8+s3] =	stream.linear.scatter [tilespmem:s1], [sflag:$0x9], $0x80, $0x38;
	[tilespmem:$0x16C00] =	vst v63  }
0x13c: {  	s0 =	sadd.s32 $0x14A00, s26  }
0x13d: {  	[hbm4b:s28+s3] =	stream.linear.scatter [tilespmem:s0], [sflag:$0x9], $0x80, $0x38;
	[tilespmem:$0x16C00] =	vst v63  }
0x13e: {  	s30 =	sadd.s32 $0x14A88, s26;
	s31 =	sadd.s32 $0x10, s28  }
0x13f: {  	[hbm4b:s31+s3] =	stream.linear.scatter [tilespmem:s30], [sflag:$0x9], $0x80, $0x38;
	[tilespmem:$0x16C00] =	vst v63  }
0x140: {  	s1 =	sadd.s32 $0x14B10, s26;
	s8 =	sadd.s32 $0x20, s28  }
0x141: {  	[hbm4b:s8+s3] =	stream.linear.scatter [tilespmem:s1], [sflag:$0x9], $0x80, $0x38;
	[tilespmem:$0x16C00] =	vst v63  }
0x142: {  	s9 =	sadd.s32 $0x14B98, s26;
	s29 =	sadd.s32 $0x30, s28  }
0x143: {  	[hbm4b:s29+s3] =	stream.linear.scatter [tilespmem:s9], [sflag:$0x9], $0x80, $0x38;
	[tilespmem:$0x16C00] =	vst v63  }
0x144: {  	s25 =	sadd.s32 $0x1, s25;
	s30 =	sadd.s32 $0x14C20, s26;
	s31 =	sadd.s32 $0x40, s28  }
0x145: {  	[hbm4b:s31+s3] =	stream.linear.scatter [tilespmem:s30], [sflag:$0x9], $0x80, $0x38;
	[tilespmem:$0x16C00] =	vst v63  }
0x146: {  	p0 =	sne.s32 s25, $0x32;
	s1 =	sadd.s32 $0x14CA8, s26;
	s8 =	sadd.s32 $0x50, s28  }
0x147: {  	[hbm4b:s8+s3] =	stream.linear.scatter [tilespmem:s1], [sflag:$0x9], $0x80, $0x38;
	[tilespmem:$0x16C00] =	vst v63  }
.Ltmp5:
0x148: {  	_ = 	snop;
	(pc) =	sbr.rel @p0 .LBB2_4-.Ltmp5, $4  }
0x149: {  	s9 =	sadd.s32 $0x14D30, s26;
	s29 =	sadd.s32 $0x60, s28  }
0x14a: {  	[hbm4b:s29+s3] =	stream.linear.scatter [tilespmem:s9], [sflag:$0x9], $0x80, $0x38;
	[tilespmem:$0x16C00] =	vst v63  }
0x14b: {  	s30 =	sadd.s32 $0x14DB8, s26;
	s31 =	sadd.s32 $0x70, s28  }
0x14c: {  	[hbm4b:s31+s3] =	stream.linear.scatter [tilespmem:s30], [sflag:$0x9], $0x80, $0x38;
	[tilespmem:$0x16C00] =	vst v63  }
0x14d: {  	_ =	swait.ge [sflag:s20], $0x2000  }
0x14e: {  	[sflag:s20] =	ssyncset.done $0x0  }
0x14f: {  	[sflag:s20] =	ssyncadd.s32 $0xFFFFE000  }
0x150: {  	_ =	swait.ge [sflag:s21], $0x2000  }
0x151: {  	[sflag:s21] =	ssyncset.done $0x0  }
0x152: {  	s24 =	sadd.s32 $0x1, s24;
	[sflag:s21] =	ssyncadd.s32 $0xFFFFE000  }
0x153: {  	p0 =	sne.s32 s24, s7;
	_ =	swait.ge [sflag:s22], $0x2000  }
.Ltmp6:
0x154: {  	[sflag:s22] =	ssyncset.done $0x0;
	(pc) =	sbr.rel @p0 .LBB2_1-.Ltmp6, $4  }
0x155: {  	[sflag:s22] =	ssyncadd.s32 $0xFFFFE000  }
0x156: {  	_ =	swait.ge [sflag:s23], $0x2000  }
0x157: {  	[sflag:s23] =	ssyncset.done $0x0  }
0x158: {  	[sflag:s23] =	ssyncadd.s32 $0xFFFFE000  }
0x159: {  	_ =	sfence.sel $0x180000  }
0x15a: {  	[bflag:$0x0] =	sbarrier.arrive $0xFFFF  }
0x15b: {  	_ =	strace $0x90000047  }
0x15c: {  	s0 =	stileid.u32;
	[bflag:$0x2] =	sbarrier.arrive $0xFFFF  }
0x15d: {  	p0 =	sne.s32 s0, $0x0;
	s0 =	rddreg [dreg:$0x3]  }
0x15e: {  	s0 =	sadd.s32 @!p0 $0x100000, s0  }
0x15f: {  	[sflag:s0] =	ssyncadd.tile.s32 @!p0 $0x1;
	_ =	shalt  }
.Lfunc_end2:
_tile_overlayer_lowered:
.L_overlay_start_2:
0x160: {  	(tag) =	ssettag $0x2  }
0x161: {  	s0 =	rddreg [dreg:$0x0];
	s2 =	stileid.u32  }
0x162: {  	s1 =	rddreg [dreg:$0x1];
	p0 =	sne.s32 s2, $0x0  }
0x163: {  	s3 =	rddreg [dreg:$0x2];
	[bflag:$0x3] =	sbarrier.arrive $0xFFFF;
	s2 =	simm.s32 @!p0 $0x1C0A  }
0x164: {  	[timem:s3], [sflag:s2] =	dma.local @!p0 [hbm:s0], s1  }
0x165: {  	s0 =	simm.s32 @!p0 $0xA  }
0x166: {  	_ =	swait.ge @!p0 [sflag:s0], s1  }
0x167: {  	s1 =	ssub.s32 @!p0 $0x0, s1;
	[sflag:s0] =	ssyncset.done @!p0 $0x0  }
0x168: {  	[sflag:s0] =	ssyncadd.s32 @!p0 s1  }
0x169: {  	[bflag:$0x3] =	sbarrier.arrive $0xFFFF  }
0x16a: {  	_ =	shalt  }

</sc_bundles>
